<compile_context>
chip_gen: v7x
topology: tpu7x:2x2x1
jax: 0.10.2.dev20260603
libtpu: 0.0.44.dev20260713+nightly
codegen_flags: <defaults>
</compile_context>

<pallas_src>
import functools

import jax
import jax.numpy as jnp
from jax import lax
from jax.experimental import pallas as pl
from jax.experimental.pallas import tpu as pltpu
from jax.experimental.pallas import tpu_sc as plsc

N = 10000
C = 128
E = 320000
M = E + N
NW = 32
CH = 128
EPW = 10368
M_PAD = NW * EPW
N_PAD = M_PAD - M
NROWS = N + 8
ACC_ROWS = 10112
RPS = ACC_ROWS // 16
DEGW = 16
BLK = 2048
NBLK = M_PAD // BLK
NCHUNK = EPW // CH

_mesh = plsc.VectorSubcoreMesh(core_axis_name="c", subcore_axis_name="s")


def _elu(u):
    return jnp.where(u > 0, u, jnp.exp(jnp.minimum(u, 0.0)) - 1.0)


def _tc_prep_body(pos_ref, y_ref, x_ref, wps_ref, wpd_ref, wys_ref, wyd_ref,
                  lin_ref, a_ref, b_ref, xw_ref):
    p = pos_ref[...]
    yv = y_ref[...]
    f32 = jnp.float32
    a_ref[0:N, :] = (jnp.dot(p, wps_ref[...], preferred_element_type=f32)
                     + jnp.dot(yv, wys_ref[...], preferred_element_type=f32))
    b_ref[0:N, :] = (jnp.dot(p, wpd_ref[...], preferred_element_type=f32)
                     + jnp.dot(yv, wyd_ref[...], preferred_element_type=f32))
    a_ref[N:NROWS, :] = jnp.zeros((NROWS - N, C), f32)
    b_ref[N:NROWS, :] = jnp.zeros((NROWS - N, C), f32)
    xw_ref[...] = jnp.dot(x_ref[...], lin_ref[...], preferred_element_type=f32)


def _tc_prep(pos8, y, x, wps, wpd, wys, wyd, lin_W):
    sds = jax.ShapeDtypeStruct
    return pl.pallas_call(
        _tc_prep_body,
        out_shape=[sds((NROWS, C), jnp.float32),
                   sds((NROWS, C), jnp.float32),
                   sds((N, C), jnp.float32)],
    )(pos8, y, x, wps, wpd, wys, wyd, lin_W)


@functools.partial(
    pl.kernel,
    out_type=[jax.ShapeDtypeStruct((M_PAD, C), jnp.float32),
              jax.ShapeDtypeStruct((2, ACC_ROWS, DEGW), jnp.float32)],
    mesh=_mesh,
    scratch_types=[
        pltpu.VMEM((CH,), jnp.int32),
        pltpu.VMEM((CH,), jnp.int32),
        pltpu.VMEM((CH, C), jnp.float32),
        pltpu.VMEM((CH, C), jnp.float32),
        pltpu.VMEM((CH, DEGW), jnp.float32),
        pltpu.VMEM_SHARED((ACC_ROWS, DEGW), jnp.float32),
        pltpu.SemaphoreType.DMA,
        pltpu.SemaphoreType.DMA,
    ],
)
def _sc_gather(a_hbm, b_hbm, src_hbm, dst_hbm, zdeg_hbm, ones_hbm,
               z0_hbm, d_out,
               idx_s, idx_d, abuf, bbuf, onesbuf, dacc, sem_a, sem_b):
    cid = lax.axis_index("c")
    sid = lax.axis_index("s")
    wid = sid * 2 + cid
    base0 = wid * EPW

    pltpu.sync_copy(zdeg_hbm, dacc.at[pl.ds(sid * RPS, RPS)])
    pltpu.sync_copy(ones_hbm, onesbuf)
    plsc.subcore_barrier()

    @pl.loop(0, NCHUNK)
    def _(ch):
        base = base0 + ch * CH
        pltpu.sync_copy(src_hbm.at[pl.ds(base, CH)], idx_s)
        pltpu.sync_copy(dst_hbm.at[pl.ds(base, CH)], idx_d)
        cpa = pltpu.async_copy(a_hbm.at[idx_s], abuf, sem_a)
        cpb = pltpu.async_copy(b_hbm.at[idx_d], bbuf, sem_b)
        cpa.wait()
        cpb.wait()

        @pl.loop(0, CH)
        def _(r):
            for g in range(C // 16):
                sl = pl.ds(g * 16, 16)
                abuf[r, sl] = abuf[r, sl] + bbuf[r, sl]

        pltpu.sync_copy(abuf, z0_hbm.at[pl.ds(base, CH)])
        pltpu.sync_copy(onesbuf, dacc.at[idx_s], add=True)

    plsc.subcore_barrier()
    pltpu.sync_copy(dacc.at[pl.ds(sid * RPS, RPS)],
                    d_out.at[cid, pl.ds(sid * RPS, RPS)])


def _tc_stats_body(z_ref, stats_ref, acc_ref):
    i = pl.program_id(0)

    @pl.when(i == 0)
    def _():
        acc_ref[...] = jnp.zeros((2, C), jnp.float32)

    z = z_ref[...]
    acc_ref[0:1, :] += jnp.sum(z, axis=0, keepdims=True)
    acc_ref[1:2, :] += jnp.sum(z * z, axis=0, keepdims=True)

    @pl.when(i == NBLK - 1)
    def _():
        stats_ref[...] = acc_ref[...]


def _tc_stats(z0):
    return pl.pallas_call(
        _tc_stats_body,
        grid=(NBLK,),
        in_specs=[pl.BlockSpec((BLK, C), lambda i: (i, 0))],
        out_specs=pl.BlockSpec((2, C), lambda i: (0, 0)),
        out_shape=jax.ShapeDtypeStruct((2, C), jnp.float32),
        scratch_shapes=[pltpu.VMEM((2, C), jnp.float32)],
    )(z0)


def _tc_layer1_body(z0_ref, sc_ref, sh_ref, w_ref, z1_ref, stats_ref, acc_ref):
    i = pl.program_id(0)

    @pl.when(i == 0)
    def _():
        acc_ref[...] = jnp.zeros((2, C), jnp.float32)

    u = z0_ref[...] * sc_ref[...] + sh_ref[...]
    h = _elu(u)
    rows = i * BLK + lax.broadcasted_iota(jnp.int32, (BLK, 1), 0)
    h = jnp.where(rows < M, h, 0.0)
    z1 = jnp.dot(h, w_ref[...], preferred_element_type=jnp.float32)
    z1_ref[...] = z1
    acc_ref[0:1, :] += jnp.sum(z1, axis=0, keepdims=True)
    acc_ref[1:2, :] += jnp.sum(z1 * z1, axis=0, keepdims=True)

    @pl.when(i == NBLK - 1)
    def _():
        stats_ref[...] = acc_ref[...]


def _tc_layer1(z0, sc0, sh0, hid_W):
    sds = jax.ShapeDtypeStruct
    return pl.pallas_call(
        _tc_layer1_body,
        grid=(NBLK,),
        in_specs=[pl.BlockSpec((BLK, C), lambda i: (i, 0)),
                  pl.BlockSpec((1, C), lambda i: (0, 0)),
                  pl.BlockSpec((1, C), lambda i: (0, 0)),
                  pl.BlockSpec((C, C), lambda i: (0, 0))],
        out_specs=[pl.BlockSpec((BLK, C), lambda i: (i, 0)),
                   pl.BlockSpec((2, C), lambda i: (0, 0))],
        out_shape=[sds((M_PAD, C), jnp.float32), sds((2, C), jnp.float32)],
        scratch_shapes=[pltpu.VMEM((2, C), jnp.float32)],
    )(z0, sc0, sh0, hid_W)


def _tc_layer2_body(z1_ref, sc_ref, sh_ref, w_ref, b_ref, ew_ref):
    u = z1_ref[...] * sc_ref[...] + sh_ref[...]
    h = _elu(u)
    ew_ref[...] = (jnp.dot(h, w_ref[...], preferred_element_type=jnp.float32)
                   + b_ref[...])


def _tc_layer2(z1, sc1, sh1, low_W, low_b):
    return pl.pallas_call(
        _tc_layer2_body,
        grid=(NBLK,),
        in_specs=[pl.BlockSpec((BLK, C), lambda i: (i, 0)),
                  pl.BlockSpec((1, C), lambda i: (0, 0)),
                  pl.BlockSpec((1, C), lambda i: (0, 0)),
                  pl.BlockSpec((C, C), lambda i: (0, 0)),
                  pl.BlockSpec((1, C), lambda i: (0, 0))],
        out_specs=pl.BlockSpec((BLK, C), lambda i: (i, 0)),
        out_shape=jax.ShapeDtypeStruct((M_PAD, C), jnp.float32),
    )(z1, sc1, sh1, low_W, low_b)


@functools.partial(
    pl.kernel,
    out_type=jax.ShapeDtypeStruct((2, ACC_ROWS, C), jnp.float32),
    mesh=_mesh,
    scratch_types=[
        pltpu.VMEM((CH,), jnp.int32),
        pltpu.VMEM((CH,), jnp.int32),
        pltpu.VMEM((CH, C), jnp.float32),
        pltpu.VMEM((CH, C), jnp.float32),
        pltpu.VMEM_SHARED((ACC_ROWS, C), jnp.float32),
        pltpu.SemaphoreType.DMA,
    ],
)
def _sc_scatter(ew_hbm, x_hbm, src_hbm, dst_hbm, zrow_hbm,
                s_out, idx_s, idx_d, ewbuf, xbuf, sacc, sem):
    cid = lax.axis_index("c")
    sid = lax.axis_index("s")
    wid = sid * 2 + cid
    base0 = wid * EPW

    pltpu.sync_copy(zrow_hbm, sacc.at[pl.ds(sid * RPS, RPS)])
    plsc.subcore_barrier()

    @pl.loop(0, NCHUNK)
    def _(ch):
        base = base0 + ch * CH
        pltpu.sync_copy(src_hbm.at[pl.ds(base, CH)], idx_s)
        pltpu.sync_copy(dst_hbm.at[pl.ds(base, CH)], idx_d)
        pltpu.sync_copy(ew_hbm.at[pl.ds(base, CH)], ewbuf)
        pltpu.async_copy(x_hbm.at[idx_s], xbuf, sem).wait()

        @pl.loop(0, CH)
        def _(r):
            for g in range(C // 16):
                sl = pl.ds(g * 16, 16)
                ewbuf[r, sl] = ewbuf[r, sl] * xbuf[r, sl]

        pltpu.sync_copy(ewbuf, sacc.at[idx_d], add=True)

    plsc.subcore_barrier()
    pltpu.sync_copy(sacc.at[pl.ds(sid * RPS, RPS)],
                    s_out.at[cid, pl.ds(sid * RPS, RPS)])


def _tc_final_body(xw_ref, s_ref, d_ref, g_ref, b_ref, o_ref):
    s = s_ref[0, 0:N, :] + s_ref[1, 0:N, :]
    deg = d_ref[0, 0:N, 0:1] + d_ref[1, 0:N, 0:1]
    v = xw_ref[...] + s / deg
    m = jnp.mean(v, axis=0, keepdims=True)
    var = jnp.mean(v * v, axis=0, keepdims=True) - m * m
    u = g_ref[...] * (v - m) * lax.rsqrt(var + 1e-5) + b_ref[...]
    o_ref[...] = _elu(u)


def _tc_final(xw, s_part, d_part, bn_g, bn_b):
    return pl.pallas_call(
        _tc_final_body,
        out_shape=jax.ShapeDtypeStruct((N, C), jnp.float32),
    )(xw, s_part, d_part, bn_g, bn_b)


def kernel(x, edge_index, pos, y, lin_W, lift_W, lift_b, hid_W, hid_b,
           low_W, low_b, bn0_g, bn0_b, bn1_g, bn1_b, bn_g, bn_b):
    f32 = jnp.float32
    wps = jnp.concatenate([lift_W[0:3], jnp.zeros((5, C), f32)], axis=0)
    wpd = jnp.concatenate([lift_W[3:6], jnp.zeros((5, C), f32)], axis=0)
    wys = lift_W[6:6 + C]
    wyd = lift_W[6 + C:]
    pos8 = jnp.concatenate([pos, jnp.zeros((N, 5), f32)], axis=1)

    ar = jnp.arange(N, dtype=jnp.int32)
    sent = jnp.full((N_PAD,), N, jnp.int32)
    src = jnp.concatenate([edge_index[0].astype(jnp.int32), ar, sent])
    dst = jnp.concatenate([edge_index[1].astype(jnp.int32), ar, sent])

    a_tbl, b_tbl, xw = _tc_prep(pos8, y, x, wps, wpd, wys, wyd, lin_W)
    x_tbl = jnp.concatenate([x, jnp.zeros((NROWS - N, C), f32)], axis=0)

    zdeg = jnp.zeros((RPS, DEGW), f32)
    ones = jnp.ones((CH, DEGW), f32)
    z0, d_part = _sc_gather(a_tbl, b_tbl, src, dst, zdeg, ones)

    stats0 = _tc_stats(z0)
    m0 = stats0[0] / M
    v0 = stats0[1] / M - m0 * m0
    sc0 = (bn0_g * lax.rsqrt(v0 + 1e-5)).reshape(1, C)
    sh0 = (bn0_b - m0 * bn0_g * lax.rsqrt(v0 + 1e-5)).reshape(1, C)

    z1, stats1 = _tc_layer1(z0, sc0, sh0, hid_W)
    m1 = stats1[0] / M
    v1 = stats1[1] / M - m1 * m1
    sc1 = (bn1_g * lax.rsqrt(v1 + 1e-5)).reshape(1, C)
    sh1 = (bn1_b - m1 * bn1_g * lax.rsqrt(v1 + 1e-5)).reshape(1, C)

    ew = _tc_layer2(z1, sc1, sh1, low_W, low_b.reshape(1, C))

    zrow = jnp.zeros((RPS, C), f32)
    s_part = _sc_scatter(ew, x_tbl, src, dst, zrow)

    return _tc_final(xw, s_part, d_part, bn_g.reshape(1, C), bn_b.reshape(1, C))

# --- scband reference (transcript-rebuilt; emitter-appended) ---
"""Pipeline reference for scband-gklayer-1675037245696 (READ-ONLY COPY).

The authoritative reference and input builder live on the scoring server;
editing this copy changes nothing except your own understanding.
"""

import jax, jax.numpy as jnp
import numpy as np

N = 10000
E = 320000
C = 128
DIM = 3
HID = C
KIN = 2 * DIM + 2 * C


def _glorot(key, fan_in, fan_out):
    return (jax.random.normal(key, (fan_in, fan_out), dtype=jnp.float32) / np.sqrt(fan_in)).astype(jnp.float32)


def setup_inputs(seed: int = 0) -> dict:
    key = jax.random.key(seed)
    ks = jax.random.split(key, 12)
    x = jax.random.normal(ks[0], (N, C), dtype=jnp.float32)
    edge_index = jax.random.randint(ks[1], (2, E), 0, N, dtype=jnp.int32)
    pos = jax.random.normal(ks[2], (N, DIM), dtype=jnp.float32)
    y = jax.random.normal(ks[3], (N, C), dtype=jnp.float32)
    return {
        'x': x, 'edge_index': edge_index, 'pos': pos, 'y': y,
        'lin_W': _glorot(ks[4], C, C),
        'lift_W': _glorot(ks[5], KIN, HID), 'lift_b': jnp.zeros((HID,), jnp.float32),
        'hid_W': _glorot(ks[6], HID, HID), 'hid_b': jnp.zeros((HID,), jnp.float32),
        'low_W': _glorot(ks[7], HID, C), 'low_b': jnp.zeros((C,), jnp.float32),
        'bn0_g': jnp.ones((HID,), jnp.float32), 'bn0_b': jnp.zeros((HID,), jnp.float32),
        'bn1_g': jnp.ones((HID,), jnp.float32), 'bn1_b': jnp.zeros((HID,), jnp.float32),
        'bn_g': jnp.ones((C,), jnp.float32), 'bn_b': jnp.zeros((C,), jnp.float32),
    }


def _bn(h, g, b, eps=1e-5):
    m = h.mean(axis=0)
    v = h.var(axis=0)
    return g * (h - m) / jnp.sqrt(v + eps) + b


def reference(x, edge_index, pos, y, lin_W, lift_W, lift_b, hid_W, hid_b, low_W, low_b, bn0_g, bn0_b, bn1_g, bn1_b, bn_g, bn_b):
    n = x.shape[0]
    # add_self_loops
    ar = jnp.arange(n, dtype=edge_index.dtype)
    ei = jnp.concatenate([edge_index, jnp.stack([ar, ar])], axis=1)
    src, dst = ei[0], ei[1]
    # GKMLP kernel on edge features (BatchNorm in training mode: batch stats)
    feat = jnp.concatenate([pos[src], pos[dst], y[src], y[dst]], axis=1)
    h = jax.nn.elu(_bn(feat @ lift_W + lift_b, bn0_g, bn0_b))
    h = jax.nn.elu(_bn(h @ hid_W + hid_b, bn1_g, bn1_b))
    ew = h @ low_W + low_b
    # deg[i] = out-degree (row-sum of sparse adjacency built from edge_index incl. self loops)
    deg = jax.ops.segment_sum(jnp.ones((ei.shape[1],), dtype=x.dtype), src, num_segments=n)
    ew = ew / deg[dst][:, None]
    # message passing: sum_{j->i} edge_weight * x_j aggregated at dst
    msgs = ew * x[src]
    gnn_out = jax.ops.segment_sum(msgs, dst, num_segments=n)
    return jax.nn.elu(_bn(x @ lin_W + gnn_out, bn_g, bn_b))

if __name__ == "__main__":
    import jax
    _d = setup_inputs()
    print(jax.jit(kernel)(*tuple(_d.values())))

</pallas_src>

<mosaic_0001>
#map = affine_map<(d0, d1) -> (0, 0)>
#map1 = affine_map<(d0, d1) -> (0)>
#map2 = affine_map<(d0, d1) -> (0, 0, 0)>
module attributes {stable_mosaic.version = 14 : i64} {
  func.func @_sc_gather(%arg0: i32, %arg1: i32, %arg2: memref<10008x128xf32, #tpu.memory_space<hbm>>, %arg3: memref<10008x128xf32, #tpu.memory_space<hbm>>, %arg4: memref<331776xi32, #tpu.memory_space<hbm>>, %arg5: memref<331776xi32, #tpu.memory_space<hbm>>, %arg6: memref<632x16xf32, #tpu.memory_space<hbm>>, %arg7: memref<128x16xf32, #tpu.memory_space<hbm>>, %arg8: memref<331776x128xf32, #tpu.memory_space<hbm>>, %arg9: memref<2x10112x16xf32, #tpu.memory_space<hbm>>, %arg10: memref<128xi32, #tpu.memory_space<vmem>>, %arg11: memref<128xi32, #tpu.memory_space<vmem>>, %arg12: memref<128x128xf32, #tpu.memory_space<vmem>>, %arg13: memref<128x128xf32, #tpu.memory_space<vmem>>, %arg14: memref<128x16xf32, #tpu.memory_space<vmem>>, %arg15: memref<10112x16xf32, #tpu.memory_space<vmem_shared>>, %arg16: memref<!tpu.dma_semaphore, #tpu.memory_space<semaphore_mem>>, %arg17: memref<!tpu.dma_semaphore, #tpu.memory_space<semaphore_mem>>) attributes {dimension_semantics = [#tpu.dimension_semantics<core_parallel>, #tpu.dimension_semantics<subcore_parallel>], iteration_bounds = array<i64: 2, 16>, scalar_prefetch = 0 : i64, scratch_operands = 8 : i64, tpu.core_type = #tpu.core_type<sc_vector_subcore>, window_params = [{transform_indices = #map}, {transform_indices = #map}, {transform_indices = #map1}, {transform_indices = #map1}, {transform_indices = #map}, {transform_indices = #map}, {transform_indices = #map}, {transform_indices = #map2}]} {
    %mul3A = arith.constant 2 : i32
    %mul3A_0 = arith.muli %arg1, %mul3A : i32
    %add3A = arith.addi %mul3A_0, %arg0 : i32
    %mul3A_1 = arith.constant 10368 : i32
    %mul3A_2 = arith.muli %add3A, %mul3A_1 : i32
    %mul3A_3 = arith.constant 632 : i32
    %mul3A_4 = arith.muli %arg1, %mul3A_3 : i32
    "tpu.region"() ({
      %run_scoped3A = tpu.sem_alloc : memref<!tpu.dma_semaphore, #tpu.memory_space<semaphore_mem>>
      %dma_start3A = arith.constant 0 : i32
      %dma_start3A_14 = tpu.memref_slice %arg15[%mul3A_4, %dma_start3A] : memref<10112x16xf32, #tpu.memory_space<vmem_shared>> -> memref<632x16xf32, #tpu.memory_space<vmem_shared>>
      tpu.enqueue_dma source(%arg6 : memref<632x16xf32, #tpu.memory_space<hbm>>) target(%dma_start3A_14 : memref<632x16xf32, #tpu.memory_space<vmem_shared>>) target_semaphore(%run_scoped3A : memref<!tpu.dma_semaphore, #tpu.memory_space<semaphore_mem>>)
      %dma_wait3A = arith.constant 0 : i32
      %dma_wait3A_15 = tpu.memref_slice %arg15[%mul3A_4, %dma_wait3A] : memref<10112x16xf32, #tpu.memory_space<vmem_shared>> -> memref<632x16xf32, #tpu.memory_space<vmem_shared>>
      tpu.wait_dma2 semaphore(%run_scoped3A : memref<!tpu.dma_semaphore, #tpu.memory_space<semaphore_mem>>) src(%arg6 : memref<632x16xf32, #tpu.memory_space<hbm>>) dst(%dma_wait3A_15 : memref<632x16xf32, #tpu.memory_space<vmem_shared>>)
      tpu.yield
    }) : () -> ()
    "tpu.region"() ({
      %run_scoped3A = tpu.sem_alloc : memref<!tpu.dma_semaphore, #tpu.memory_space<semaphore_mem>>
      tpu.enqueue_dma source(%arg7 : memref<128x16xf32, #tpu.memory_space<hbm>>) target(%arg14 : memref<128x16xf32, #tpu.memory_space<vmem>>) target_semaphore(%run_scoped3A : memref<!tpu.dma_semaphore, #tpu.memory_space<semaphore_mem>>)
      tpu.wait_dma2 semaphore(%run_scoped3A : memref<!tpu.dma_semaphore, #tpu.memory_space<semaphore_mem>>) src(%arg7 : memref<128x16xf32, #tpu.memory_space<hbm>>) dst(%arg14 : memref<128x16xf32, #tpu.memory_space<vmem>>)
      tpu.yield
    }) : () -> ()
    %barrier3A = arith.constant 0 : index
    tpu.barrier barrier_id(%barrier3A)
    %scan3A = arith.constant 0 : i32
    %scan3A_5 = arith.constant 81 : i32
    %scan3A_6 = arith.addi %scan3A, %scan3A_5 : i32
    %scan3A_7 = arith.constant 1 : i32
    scf.for %scan3A_14 = %scan3A to %scan3A_6 step %scan3A_7  : i32 {
      %mul3A_15 = arith.constant 1 : i32
      %mul3A_16 = arith.muli %scan3A_14, %mul3A_15 : i32
      %add3A_17 = arith.constant 0 : i32
      %add3A_18 = arith.addi %add3A_17, %mul3A_16 : i32
      %mul3A_19 = arith.constant 128 : i32
      %mul3A_20 = arith.muli %add3A_18, %mul3A_19 : i32
      %add3A_21 = arith.addi %mul3A_2, %mul3A_20 : i32
      "tpu.region"() ({
        %run_scoped3A = tpu.sem_alloc : memref<!tpu.dma_semaphore, #tpu.memory_space<semaphore_mem>>
        %dma_start3A_37 = tpu.memref_slice %arg4[%add3A_21] : memref<331776xi32, #tpu.memory_space<hbm>> -> memref<128xi32, #tpu.memory_space<hbm>>
        %dma_start3A_38 = tpu.memref_slice %arg4[%add3A_21] : memref<331776xi32, #tpu.memory_space<hbm>> -> memref<128xi32, #tpu.memory_space<hbm>>
        tpu.enqueue_dma source(%dma_start3A_38 : memref<128xi32, #tpu.memory_space<hbm>>) target(%arg10 : memref<128xi32, #tpu.memory_space<vmem>>) target_semaphore(%run_scoped3A : memref<!tpu.dma_semaphore, #tpu.memory_space<semaphore_mem>>)
        %dma_wait3A_39 = tpu.memref_slice %arg4[%add3A_21] : memref<331776xi32, #tpu.memory_space<hbm>> -> memref<128xi32, #tpu.memory_space<hbm>>
        %dma_wait3A_40 = tpu.memref_slice %arg4[%add3A_21] : memref<331776xi32, #tpu.memory_space<hbm>> -> memref<128xi32, #tpu.memory_space<hbm>>
        tpu.wait_dma2 semaphore(%run_scoped3A : memref<!tpu.dma_semaphore, #tpu.memory_space<semaphore_mem>>) src(%dma_wait3A_40 : memref<128xi32, #tpu.memory_space<hbm>>) dst(%arg10 : memref<128xi32, #tpu.memory_space<vmem>>)
        tpu.yield
      }) : () -> ()
      "tpu.region"() ({
        %run_scoped3A = tpu.sem_alloc : memref<!tpu.dma_semaphore, #tpu.memory_space<semaphore_mem>>
        %dma_start3A_37 = tpu.memref_slice %arg5[%add3A_21] : memref<331776xi32, #tpu.memory_space<hbm>> -> memref<128xi32, #tpu.memory_space<hbm>>
        %dma_start3A_38 = tpu.memref_slice %arg5[%add3A_21] : memref<331776xi32, #tpu.memory_space<hbm>> -> memref<128xi32, #tpu.memory_space<hbm>>
        tpu.enqueue_dma source(%dma_start3A_38 : memref<128xi32, #tpu.memory_space<hbm>>) target(%arg11 : memref<128xi32, #tpu.memory_space<vmem>>) target_semaphore(%run_scoped3A : memref<!tpu.dma_semaphore, #tpu.memory_space<semaphore_mem>>)
        %dma_wait3A_39 = tpu.memref_slice %arg5[%add3A_21] : memref<331776xi32, #tpu.memory_space<hbm>> -> memref<128xi32, #tpu.memory_space<hbm>>
        %dma_wait3A_40 = tpu.memref_slice %arg5[%add3A_21] : memref<331776xi32, #tpu.memory_space<hbm>> -> memref<128xi32, #tpu.memory_space<hbm>>
        tpu.wait_dma2 semaphore(%run_scoped3A : memref<!tpu.dma_semaphore, #tpu.memory_space<semaphore_mem>>) src(%dma_wait3A_40 : memref<128xi32, #tpu.memory_space<hbm>>) dst(%arg11 : memref<128xi32, #tpu.memory_space<vmem>>)
        tpu.yield
      }) : () -> ()
      %dma_start3A = arith.constant 0 : i32
      %dma_start3A_22 = arith.constant 0 : i32
      %dma_start3A_23 = tpu.memref_slice %arg2[%dma_start3A, %dma_start3A_22] : memref<10008x128xf32, #tpu.memory_space<hbm>> -> memref<10008x128xf32, #tpu.memory_space<hbm>>
      tpu.enqueue_indirect_dma source(%dma_start3A_23 : memref<10008x128xf32, #tpu.memory_space<hbm>>) target(%arg12 : memref<128x128xf32, #tpu.memory_space<vmem>>) offsets(%arg10 : memref<128xi32, #tpu.memory_space<vmem>>) semaphore(%arg16 : memref<!tpu.dma_semaphore, #tpu.memory_space<semaphore_mem>>)
      %dma_start3A_24 = arith.constant 0 : i32
      %dma_start3A_25 = arith.constant 0 : i32
      %dma_start3A_26 = tpu.memref_slice %arg3[%dma_start3A_24, %dma_start3A_25] : memref<10008x128xf32, #tpu.memory_space<hbm>> -> memref<10008x128xf32, #tpu.memory_space<hbm>>
      tpu.enqueue_indirect_dma source(%dma_start3A_26 : memref<10008x128xf32, #tpu.memory_space<hbm>>) target(%arg13 : memref<128x128xf32, #tpu.memory_space<vmem>>) offsets(%arg11 : memref<128xi32, #tpu.memory_space<vmem>>) semaphore(%arg17 : memref<!tpu.dma_semaphore, #tpu.memory_space<semaphore_mem>>)
      %dma_wait3A = arith.constant 0 : i32
      %dma_wait3A_27 = arith.constant 0 : i32
      %dma_wait3A_28 = tpu.memref_slice %arg2[%dma_wait3A, %dma_wait3A_27] : memref<10008x128xf32, #tpu.memory_space<hbm>> -> memref<10008x128xf32, #tpu.memory_space<hbm>>
      tpu.wait_indirect_dma semaphore(%arg16 : memref<!tpu.dma_semaphore, #tpu.memory_space<semaphore_mem>>) src(%dma_wait3A_28 : memref<10008x128xf32, #tpu.memory_space<hbm>>) dst(%arg12 : memref<128x128xf32, #tpu.memory_space<vmem>>)
      %dma_wait3A_29 = arith.constant 0 : i32
      %dma_wait3A_30 = arith.constant 0 : i32
      %dma_wait3A_31 = tpu.memref_slice %arg3[%dma_wait3A_29, %dma_wait3A_30] : memref<10008x128xf32, #tpu.memory_space<hbm>> -> memref<10008x128xf32, #tpu.memory_space<hbm>>
      tpu.wait_indirect_dma semaphore(%arg17 : memref<!tpu.dma_semaphore, #tpu.memory_space<semaphore_mem>>) src(%dma_wait3A_31 : memref<10008x128xf32, #tpu.memory_space<hbm>>) dst(%arg13 : memref<128x128xf32, #tpu.memory_space<vmem>>)
      %scan3A_32 = arith.constant 0 : i32
      %scan3A_33 = arith.constant 128 : i32
      %scan3A_34 = arith.addi %scan3A_32, %scan3A_33 : i32
      %scan3A_35 = arith.constant 1 : i32
      scf.for %scan3A_37 = %scan3A_32 to %scan3A_34 step %scan3A_35  : i32 {
        %mul3A_38 = arith.constant 1 : i32
        %mul3A_39 = arith.muli %scan3A_37, %mul3A_38 : i32
        %add3A_40 = arith.constant 0 : i32
        %add3A_41 = arith.addi %add3A_40, %mul3A_39 : i32
        %get3A = arith.index_cast %add3A_41 : i32 to index
        %get3A_42 = arith.constant 0 : index
        %get3A_43 = tpu.vector_load %arg12[%get3A, %get3A_42] {strides = array<i32>} : memref<128x128xf32, #tpu.memory_space<vmem>>, vector<1x16xf32>,
        %get3A_44 = vector.shape_cast %get3A_43 : vector<1x16xf32> to vector<16xf32>
        %get3A_45 = arith.index_cast %add3A_41 : i32 to index
        %get3A_46 = arith.constant 0 : index
        %get3A_47 = tpu.vector_load %arg13[%get3A_45, %get3A_46] {strides = array<i32>} : memref<128x128xf32, #tpu.memory_space<vmem>>, vector<1x16xf32>,
        %get3A_48 = vector.shape_cast %get3A_47 : vector<1x16xf32> to vector<16xf32>
        %add3A_49 = arith.addf %get3A_44, %get3A_48 : vector<16xf32>
        %swap3A = arith.index_cast %add3A_41 : i32 to index
        %swap3A_50 = arith.constant 0 : index
        %swap3A_51 = tpu.vector_load %arg12[%swap3A, %swap3A_50] {strides = array<i32>} : memref<128x128xf32, #tpu.memory_space<vmem>>, vector<1x16xf32>,
        %swap3A_52 = vector.shape_cast %swap3A_51 : vector<1x16xf32> to vector<16xf32>
        %swap3A_53 = vector.shape_cast %add3A_49 : vector<16xf32> to vector<1x16xf32>
        tpu.vector_store %arg12[%swap3A, %swap3A_50], %swap3A_53 {strides = array<i32>} : memref<128x128xf32, #tpu.memory_space<vmem>>, vector<1x16xf32>,
        %get3A_54 = arith.index_cast %add3A_41 : i32 to index
        %get3A_55 = arith.constant 16 : index
        %get3A_56 = tpu.vector_load %arg12[%get3A_54, %get3A_55] {strides = array<i32>} : memref<128x128xf32, #tpu.memory_space<vmem>>, vector<1x16xf32>,
        %get3A_57 = vector.shape_cast %get3A_56 : vector<1x16xf32> to vector<16xf32>
        %get3A_58 = arith.index_cast %add3A_41 : i32 to index
        %get3A_59 = arith.constant 16 : index
        %get3A_60 = tpu.vector_load %arg13[%get3A_58, %get3A_59] {strides = array<i32>} : memref<128x128xf32, #tpu.memory_space<vmem>>, vector<1x16xf32>,
        %get3A_61 = vector.shape_cast %get3A_60 : vector<1x16xf32> to vector<16xf32>
        %add3A_62 = arith.addf %get3A_57, %get3A_61 : vector<16xf32>
        %swap3A_63 = arith.index_cast %add3A_41 : i32 to index
        %swap3A_64 = arith.constant 16 : index
        %swap3A_65 = tpu.vector_load %arg12[%swap3A_63, %swap3A_64] {strides = array<i32>} : memref<128x128xf32, #tpu.memory_space<vmem>>, vector<1x16xf32>,
        %swap3A_66 = vector.shape_cast %swap3A_65 : vector<1x16xf32> to vector<16xf32>
        %swap3A_67 = vector.shape_cast %add3A_62 : vector<16xf32> to vector<1x16xf32>
        tpu.vector_store %arg12[%swap3A_63, %swap3A_64], %swap3A_67 {strides = array<i32>} : memref<128x128xf32, #tpu.memory_space<vmem>>, vector<1x16xf32>,
        %get3A_68 = arith.index_cast %add3A_41 : i32 to index
        %get3A_69 = arith.constant 32 : index
        %get3A_70 = tpu.vector_load %arg12[%get3A_68, %get3A_69] {strides = array<i32>} : memref<128x128xf32, #tpu.memory_space<vmem>>, vector<1x16xf32>,
        %get3A_71 = vector.shape_cast %get3A_70 : vector<1x16xf32> to vector<16xf32>
        %get3A_72 = arith.index_cast %add3A_41 : i32 to index
        %get3A_73 = arith.constant 32 : index
        %get3A_74 = tpu.vector_load %arg13[%get3A_72, %get3A_73] {strides = array<i32>} : memref<128x128xf32, #tpu.memory_space<vmem>>, vector<1x16xf32>,
        %get3A_75 = vector.shape_cast %get3A_74 : vector<1x16xf32> to vector<16xf32>
        %add3A_76 = arith.addf %get3A_71, %get3A_75 : vector<16xf32>
        %swap3A_77 = arith.index_cast %add3A_41 : i32 to index
        %swap3A_78 = arith.constant 32 : index
        %swap3A_79 = tpu.vector_load %arg12[%swap3A_77, %swap3A_78] {strides = array<i32>} : memref<128x128xf32, #tpu.memory_space<vmem>>, vector<1x16xf32>,
        %swap3A_80 = vector.shape_cast %swap3A_79 : vector<1x16xf32> to vector<16xf32>
        %swap3A_81 = vector.shape_cast %add3A_76 : vector<16xf32> to vector<1x16xf32>
        tpu.vector_store %arg12[%swap3A_77, %swap3A_78], %swap3A_81 {strides = array<i32>} : memref<128x128xf32, #tpu.memory_space<vmem>>, vector<1x16xf32>,
        %get3A_82 = arith.index_cast %add3A_41 : i32 to index
        %get3A_83 = arith.constant 48 : index
        %get3A_84 = tpu.vector_load %arg12[%get3A_82, %get3A_83] {strides = array<i32>} : memref<128x128xf32, #tpu.memory_space<vmem>>, vector<1x16xf32>,
        %get3A_85 = vector.shape_cast %get3A_84 : vector<1x16xf32> to vector<16xf32>
        %get3A_86 = arith.index_cast %add3A_41 : i32 to index
        %get3A_87 = arith.constant 48 : index
        %get3A_88 = tpu.vector_load %arg13[%get3A_86, %get3A_87] {strides = array<i32>} : memref<128x128xf32, #tpu.memory_space<vmem>>, vector<1x16xf32>,
        %get3A_89 = vector.shape_cast %get3A_88 : vector<1x16xf32> to vector<16xf32>
        %add3A_90 = arith.addf %get3A_85, %get3A_89 : vector<16xf32>
        %swap3A_91 = arith.index_cast %add3A_41 : i32 to index
        %swap3A_92 = arith.constant 48 : index
        %swap3A_93 = tpu.vector_load %arg12[%swap3A_91, %swap3A_92] {strides = array<i32>} : memref<128x128xf32, #tpu.memory_space<vmem>>, vector<1x16xf32>,
        %swap3A_94 = vector.shape_cast %swap3A_93 : vector<1x16xf32> to vector<16xf32>
        %swap3A_95 = vector.shape_cast %add3A_90 : vector<16xf32> to vector<1x16xf32>
        tpu.vector_store %arg12[%swap3A_91, %swap3A_92], %swap3A_95 {strides = array<i32>} : memref<128x128xf32, #tpu.memory_space<vmem>>, vector<1x16xf32>,
        %get3A_96 = arith.index_cast %add3A_41 : i32 to index
        %get3A_97 = arith.constant 64 : index
        %get3A_98 = tpu.vector_load %arg12[%get3A_96, %get3A_97] {strides = array<i32>} : memref<128x128xf32, #tpu.memory_space<vmem>>, vector<1x16xf32>,
        %get3A_99 = vector.shape_cast %get3A_98 : vector<1x16xf32> to vector<16xf32>
        %get3A_100 = arith.index_cast %add3A_41 : i32 to index
        %get3A_101 = arith.constant 64 : index
        %get3A_102 = tpu.vector_load %arg13[%get3A_100, %get3A_101] {strides = array<i32>} : memref<128x128xf32, #tpu.memory_space<vmem>>, vector<1x16xf32>,
        %get3A_103 = vector.shape_cast %get3A_102 : vector<1x16xf32> to vector<16xf32>
        %add3A_104 = arith.addf %get3A_99, %get3A_103 : vector<16xf32>
        %swap3A_105 = arith.index_cast %add3A_41 : i32 to index
        %swap3A_106 = arith.constant 64 : index
        %swap3A_107 = tpu.vector_load %arg12[%swap3A_105, %swap3A_106] {strides = array<i32>} : memref<128x128xf32, #tpu.memory_space<vmem>>, vector<1x16xf32>,
        %swap3A_108 = vector.shape_cast %swap3A_107 : vector<1x16xf32> to vector<16xf32>
        %swap3A_109 = vector.shape_cast %add3A_104 : vector<16xf32> to vector<1x16xf32>
        tpu.vector_store %arg12[%swap3A_105, %swap3A_106], %swap3A_109 {strides = array<i32>} : memref<128x128xf32, #tpu.memory_space<vmem>>, vector<1x16xf32>,
        %get3A_110 = arith.index_cast %add3A_41 : i32 to index
        %get3A_111 = arith.constant 80 : index
        %get3A_112 = tpu.vector_load %arg12[%get3A_110, %get3A_111] {strides = array<i32>} : memref<128x128xf32, #tpu.memory_space<vmem>>, vector<1x16xf32>,
        %get3A_113 = vector.shape_cast %get3A_112 : vector<1x16xf32> to vector<16xf32>
        %get3A_114 = arith.index_cast %add3A_41 : i32 to index
        %get3A_115 = arith.constant 80 : index
        %get3A_116 = tpu.vector_load %arg13[%get3A_114, %get3A_115] {strides = array<i32>} : memref<128x128xf32, #tpu.memory_space<vmem>>, vector<1x16xf32>,
        %get3A_117 = vector.shape_cast %get3A_116 : vector<1x16xf32> to vector<16xf32>
        %add3A_118 = arith.addf %get3A_113, %get3A_117 : vector<16xf32>
        %swap3A_119 = arith.index_cast %add3A_41 : i32 to index
        %swap3A_120 = arith.constant 80 : index
        %swap3A_121 = tpu.vector_load %arg12[%swap3A_119, %swap3A_120] {strides = array<i32>} : memref<128x128xf32, #tpu.memory_space<vmem>>, vector<1x16xf32>,
        %swap3A_122 = vector.shape_cast %swap3A_121 : vector<1x16xf32> to vector<16xf32>
        %swap3A_123 = vector.shape_cast %add3A_118 : vector<16xf32> to vector<1x16xf32>
        tpu.vector_store %arg12[%swap3A_119, %swap3A_120], %swap3A_123 {strides = array<i32>} : memref<128x128xf32, #tpu.memory_space<vmem>>, vector<1x16xf32>,
        %get3A_124 = arith.index_cast %add3A_41 : i32 to index
        %get3A_125 = arith.constant 96 : index
        %get3A_126 = tpu.vector_load %arg12[%get3A_124, %get3A_125] {strides = array<i32>} : memref<128x128xf32, #tpu.memory_space<vmem>>, vector<1x16xf32>,
        %get3A_127 = vector.shape_cast %get3A_126 : vector<1x16xf32> to vector<16xf32>
        %get3A_128 = arith.index_cast %add3A_41 : i32 to index
        %get3A_129 = arith.constant 96 : index
        %get3A_130 = tpu.vector_load %arg13[%get3A_128, %get3A_129] {strides = array<i32>} : memref<128x128xf32, #tpu.memory_space<vmem>>, vector<1x16xf32>,
        %get3A_131 = vector.shape_cast %get3A_130 : vector<1x16xf32> to vector<16xf32>
        %add3A_132 = arith.addf %get3A_127, %get3A_131 : vector<16xf32>
        %swap3A_133 = arith.index_cast %add3A_41 : i32 to index
        %swap3A_134 = arith.constant 96 : index
        %swap3A_135 = tpu.vector_load %arg12[%swap3A_133, %swap3A_134] {strides = array<i32>} : memref<128x128xf32, #tpu.memory_space<vmem>>, vector<1x16xf32>,
        %swap3A_136 = vector.shape_cast %swap3A_135 : vector<1x16xf32> to vector<16xf32>
        %swap3A_137 = vector.shape_cast %add3A_132 : vector<16xf32> to vector<1x16xf32>
        tpu.vector_store %arg12[%swap3A_133, %swap3A_134], %swap3A_137 {strides = array<i32>} : memref<128x128xf32, #tpu.memory_space<vmem>>, vector<1x16xf32>,
        %get3A_138 = arith.index_cast %add3A_41 : i32 to index
        %get3A_139 = arith.constant 112 : index
        %get3A_140 = tpu.vector_load %arg12[%get3A_138, %get3A_139] {strides = array<i32>} : memref<128x128xf32, #tpu.memory_space<vmem>>, vector<1x16xf32>,
        %get3A_141 = vector.shape_cast %get3A_140 : vector<1x16xf32> to vector<16xf32>
        %get3A_142 = arith.index_cast %add3A_41 : i32 to index
        %get3A_143 = arith.constant 112 : index
        %get3A_144 = tpu.vector_load %arg13[%get3A_142, %get3A_143] {strides = array<i32>} : memref<128x128xf32, #tpu.memory_space<vmem>>, vector<1x16xf32>,
        %get3A_145 = vector.shape_cast %get3A_144 : vector<1x16xf32> to vector<16xf32>
        %add3A_146 = arith.addf %get3A_141, %get3A_145 : vector<16xf32>
        %swap3A_147 = arith.index_cast %add3A_41 : i32 to index
        %swap3A_148 = arith.constant 112 : index
        %swap3A_149 = tpu.vector_load %arg12[%swap3A_147, %swap3A_148] {strides = array<i32>} : memref<128x128xf32, #tpu.memory_space<vmem>>, vector<1x16xf32>,
        %swap3A_150 = vector.shape_cast %swap3A_149 : vector<1x16xf32> to vector<16xf32>
        %swap3A_151 = vector.shape_cast %add3A_146 : vector<16xf32> to vector<1x16xf32>
        tpu.vector_store %arg12[%swap3A_147, %swap3A_148], %swap3A_151 {strides = array<i32>} : memref<128x128xf32, #tpu.memory_space<vmem>>, vector<1x16xf32>,
      }
      %scan3A_36 = arith.constant 128 : i32
      "tpu.region"() ({
        %run_scoped3A = tpu.sem_alloc : memref<!tpu.dma_semaphore, #tpu.memory_space<semaphore_mem>>
        %dma_start3A_37 = arith.constant 0 : i32
        %dma_start3A_38 = tpu.memref_slice %arg8[%add3A_21, %dma_start3A_37] : memref<331776x128xf32, #tpu.memory_space<hbm>> -> memref<128x128xf32, #tpu.memory_space<hbm>>
        %dma_start3A_39 = arith.constant 0 : i32
        %dma_start3A_40 = tpu.memref_slice %arg8[%add3A_21, %dma_start3A_39] : memref<331776x128xf32, #tpu.memory_space<hbm>> -> memref<128x128xf32, #tpu.memory_space<hbm>>
        tpu.enqueue_dma source(%arg12 : memref<128x128xf32, #tpu.memory_space<vmem>>) target(%dma_start3A_40 : memref<128x128xf32, #tpu.memory_space<hbm>>) target_semaphore(%run_scoped3A : memref<!tpu.dma_semaphore, #tpu.memory_space<semaphore_mem>>)
        %dma_wait3A_41 = arith.constant 0 : i32
        %dma_wait3A_42 = tpu.memref_slice %arg8[%add3A_21, %dma_wait3A_41] : memref<331776x128xf32, #tpu.memory_space<hbm>> -> memref<128x128xf32, #tpu.memory_space<hbm>>
        %dma_wait3A_43 = arith.constant 0 : i32
        %dma_wait3A_44 = tpu.memref_slice %arg8[%add3A_21, %dma_wait3A_43] : memref<331776x128xf32, #tpu.memory_space<hbm>> -> memref<128x128xf32, #tpu.memory_space<hbm>>
        tpu.wait_dma2 semaphore(%run_scoped3A : memref<!tpu.dma_semaphore, #tpu.memory_space<semaphore_mem>>) src(%arg12 : memref<128x128xf32, #tpu.memory_space<vmem>>) dst(%dma_wait3A_44 : memref<128x128xf32, #tpu.memory_space<hbm>>)
        tpu.yield
      }) : () -> ()
      "tpu.region"() ({
        %run_scoped3A = tpu.sem_alloc : memref<!tpu.dma_semaphore, #tpu.memory_space<semaphore_mem>>
        %dma_start3A_37 = arith.constant 0 : i32
        %dma_start3A_38 = arith.constant 0 : i32
        %dma_start3A_39 = tpu.memref_slice %arg15[%dma_start3A_37, %dma_start3A_38] : memref<10112x16xf32, #tpu.memory_space<vmem_shared>> -> memref<10112x16xf32, #tpu.memory_space<vmem_shared>>
        tpu.enqueue_indirect_dma source(%arg14 : memref<128x16xf32, #tpu.memory_space<vmem>>) target(%dma_start3A_39 : memref<10112x16xf32, #tpu.memory_space<vmem_shared>>) offsets(%arg10 : memref<128xi32, #tpu.memory_space<vmem>>) semaphore(%run_scoped3A : memref<!tpu.dma_semaphore, #tpu.memory_space<semaphore_mem>>) {add = true}
        %dma_wait3A_40 = arith.constant 0 : i32
        %dma_wait3A_41 = arith.constant 0 : i32
        %dma_wait3A_42 = tpu.memref_slice %arg15[%dma_wait3A_40, %dma_wait3A_41] : memref<10112x16xf32, #tpu.memory_space<vmem_shared>> -> memref<10112x16xf32, #tpu.memory_space<vmem_shared>>
        tpu.wait_indirect_dma semaphore(%run_scoped3A : memref<!tpu.dma_semaphore, #tpu.memory_space<semaphore_mem>>) src(%arg14 : memref<128x16xf32, #tpu.memory_space<vmem>>) dst(%dma_wait3A_42 : memref<10112x16xf32, #tpu.memory_space<vmem_shared>>)
        tpu.yield
      }) : () -> ()
    }
    %scan3A_8 = arith.constant 81 : i32
    %barrier3A_9 = arith.constant 0 : index
    tpu.barrier barrier_id(%barrier3A_9)
    %mul3A_10 = arith.constant 632 : i32
    %mul3A_11 = arith.muli %arg1, %mul3A_10 : i32
    %mul3A_12 = arith.constant 632 : i32
    %mul3A_13 = arith.muli %arg1, %mul3A_12 : i32
    "tpu.region"() ({
      %run_scoped3A = tpu.sem_alloc : memref<!tpu.dma_semaphore, #tpu.memory_space<semaphore_mem>>
      %dma_start3A = arith.constant 0 : i32
      %dma_start3A_14 = tpu.memref_slice %arg9[%arg0, %mul3A_13, %dma_start3A] : memref<2x10112x16xf32, #tpu.memory_space<hbm>> -> memref<1x632x16xf32, #tpu.memory_space<hbm>>
      %dma_start3A_15 = tpu.memref_squeeze %dma_start3A_14 : memref<1x632x16xf32, #tpu.memory_space<hbm>> -> memref<632x16xf32, #tpu.memory_space<hbm>>
      %dma_start3A_16 = arith.constant 0 : i32
      %dma_start3A_17 = tpu.memref_slice %arg15[%mul3A_11, %dma_start3A_16] : memref<10112x16xf32, #tpu.memory_space<vmem_shared>> -> memref<632x16xf32, #tpu.memory_space<vmem_shared>>
      tpu.enqueue_dma source(%dma_start3A_17 : memref<632x16xf32, #tpu.memory_space<vmem_shared>>) target(%dma_start3A_15 : memref<632x16xf32, #tpu.memory_space<hbm>>) target_semaphore(%run_scoped3A : memref<!tpu.dma_semaphore, #tpu.memory_space<semaphore_mem>>)
      %dma_wait3A = arith.constant 0 : i32
      %dma_wait3A_18 = tpu.memref_slice %arg9[%arg0, %mul3A_13, %dma_wait3A] : memref<2x10112x16xf32, #tpu.memory_space<hbm>> -> memref<1x632x16xf32, #tpu.memory_space<hbm>>
      %dma_wait3A_19 = tpu.memref_squeeze %dma_wait3A_18 : memref<1x632x16xf32, #tpu.memory_space<hbm>> -> memref<632x16xf32, #tpu.memory_space<hbm>>
      %dma_wait3A_20 = arith.constant 0 : i32
      %dma_wait3A_21 = tpu.memref_slice %arg15[%mul3A_11, %dma_wait3A_20] : memref<10112x16xf32, #tpu.memory_space<vmem_shared>> -> memref<632x16xf32, #tpu.memory_space<vmem_shared>>
      tpu.wait_dma2 semaphore(%run_scoped3A : memref<!tpu.dma_semaphore, #tpu.memory_space<semaphore_mem>>) src(%dma_wait3A_21 : memref<632x16xf32, #tpu.memory_space<vmem_shared>>) dst(%dma_wait3A_19 : memref<632x16xf32, #tpu.memory_space<hbm>>)
      tpu.yield
    }) : () -> ()
    return
  }
}

#map = affine_map<(d0, d1) -> (0, 0)>
#map1 = affine_map<(d0, d1) -> (0)>
#map2 = affine_map<(d0, d1) -> (0, 0, 0)>
module attributes {stable_mosaic.version = 14 : i64} {
  func.func @_sc_scatter(%arg0: i32, %arg1: i32, %arg2: memref<331776x128xf32, #tpu.memory_space<hbm>>, %arg3: memref<10008x128xf32, #tpu.memory_space<hbm>>, %arg4: memref<331776xi32, #tpu.memory_space<hbm>>, %arg5: memref<331776xi32, #tpu.memory_space<hbm>>, %arg6: memref<632x128xf32, #tpu.memory_space<hbm>>, %arg7: memref<2x10112x128xf32, #tpu.memory_space<hbm>>, %arg8: memref<128xi32, #tpu.memory_space<vmem>>, %arg9: memref<128xi32, #tpu.memory_space<vmem>>, %arg10: memref<128x128xf32, #tpu.memory_space<vmem>>, %arg11: memref<128x128xf32, #tpu.memory_space<vmem>>, %arg12: memref<10112x128xf32, #tpu.memory_space<vmem_shared>>, %arg13: memref<!tpu.dma_semaphore, #tpu.memory_space<semaphore_mem>>) attributes {dimension_semantics = [#tpu.dimension_semantics<core_parallel>, #tpu.dimension_semantics<subcore_parallel>], iteration_bounds = array<i64: 2, 16>, scalar_prefetch = 0 : i64, scratch_operands = 6 : i64, tpu.core_type = #tpu.core_type<sc_vector_subcore>, window_params = [{transform_indices = #map}, {transform_indices = #map}, {transform_indices = #map1}, {transform_indices = #map1}, {transform_indices = #map}, {transform_indices = #map2}]} {
    %mul3A = arith.constant 2 : i32
    %mul3A_0 = arith.muli %arg1, %mul3A : i32
    %add3A = arith.addi %mul3A_0, %arg0 : i32
    %mul3A_1 = arith.constant 10368 : i32
    %mul3A_2 = arith.muli %add3A, %mul3A_1 : i32
    %mul3A_3 = arith.constant 632 : i32
    %mul3A_4 = arith.muli %arg1, %mul3A_3 : i32
    "tpu.region"() ({
      %run_scoped3A = tpu.sem_alloc : memref<!tpu.dma_semaphore, #tpu.memory_space<semaphore_mem>>
      %dma_start3A = arith.constant 0 : i32
      %dma_start3A_14 = tpu.memref_slice %arg12[%mul3A_4, %dma_start3A] : memref<10112x128xf32, #tpu.memory_space<vmem_shared>> -> memref<632x128xf32, #tpu.memory_space<vmem_shared>>
      tpu.enqueue_dma source(%arg6 : memref<632x128xf32, #tpu.memory_space<hbm>>) target(%dma_start3A_14 : memref<632x128xf32, #tpu.memory_space<vmem_shared>>) target_semaphore(%run_scoped3A : memref<!tpu.dma_semaphore, #tpu.memory_space<semaphore_mem>>)
      %dma_wait3A = arith.constant 0 : i32
      %dma_wait3A_15 = tpu.memref_slice %arg12[%mul3A_4, %dma_wait3A] : memref<10112x128xf32, #tpu.memory_space<vmem_shared>> -> memref<632x128xf32, #tpu.memory_space<vmem_shared>>
      tpu.wait_dma2 semaphore(%run_scoped3A : memref<!tpu.dma_semaphore, #tpu.memory_space<semaphore_mem>>) src(%arg6 : memref<632x128xf32, #tpu.memory_space<hbm>>) dst(%dma_wait3A_15 : memref<632x128xf32, #tpu.memory_space<vmem_shared>>)
      tpu.yield
    }) : () -> ()
    %barrier3A = arith.constant 0 : index
    tpu.barrier barrier_id(%barrier3A)
    %scan3A = arith.constant 0 : i32
    %scan3A_5 = arith.constant 81 : i32
    %scan3A_6 = arith.addi %scan3A, %scan3A_5 : i32
    %scan3A_7 = arith.constant 1 : i32
    scf.for %scan3A_14 = %scan3A to %scan3A_6 step %scan3A_7  : i32 {
      %mul3A_15 = arith.constant 1 : i32
      %mul3A_16 = arith.muli %scan3A_14, %mul3A_15 : i32
      %add3A_17 = arith.constant 0 : i32
      %add3A_18 = arith.addi %add3A_17, %mul3A_16 : i32
      %mul3A_19 = arith.constant 128 : i32
      %mul3A_20 = arith.muli %add3A_18, %mul3A_19 : i32
      %add3A_21 = arith.addi %mul3A_2, %mul3A_20 : i32
      "tpu.region"() ({
        %run_scoped3A = tpu.sem_alloc : memref<!tpu.dma_semaphore, #tpu.memory_space<semaphore_mem>>
        %dma_start3A_31 = tpu.memref_slice %arg4[%add3A_21] : memref<331776xi32, #tpu.memory_space<hbm>> -> memref<128xi32, #tpu.memory_space<hbm>>
        %dma_start3A_32 = tpu.memref_slice %arg4[%add3A_21] : memref<331776xi32, #tpu.memory_space<hbm>> -> memref<128xi32, #tpu.memory_space<hbm>>
        tpu.enqueue_dma source(%dma_start3A_32 : memref<128xi32, #tpu.memory_space<hbm>>) target(%arg8 : memref<128xi32, #tpu.memory_space<vmem>>) target_semaphore(%run_scoped3A : memref<!tpu.dma_semaphore, #tpu.memory_space<semaphore_mem>>)
        %dma_wait3A_33 = tpu.memref_slice %arg4[%add3A_21] : memref<331776xi32, #tpu.memory_space<hbm>> -> memref<128xi32, #tpu.memory_space<hbm>>
        %dma_wait3A_34 = tpu.memref_slice %arg4[%add3A_21] : memref<331776xi32, #tpu.memory_space<hbm>> -> memref<128xi32, #tpu.memory_space<hbm>>
        tpu.wait_dma2 semaphore(%run_scoped3A : memref<!tpu.dma_semaphore, #tpu.memory_space<semaphore_mem>>) src(%dma_wait3A_34 : memref<128xi32, #tpu.memory_space<hbm>>) dst(%arg8 : memref<128xi32, #tpu.memory_space<vmem>>)
        tpu.yield
      }) : () -> ()
      "tpu.region"() ({
        %run_scoped3A = tpu.sem_alloc : memref<!tpu.dma_semaphore, #tpu.memory_space<semaphore_mem>>
        %dma_start3A_31 = tpu.memref_slice %arg5[%add3A_21] : memref<331776xi32, #tpu.memory_space<hbm>> -> memref<128xi32, #tpu.memory_space<hbm>>
        %dma_start3A_32 = tpu.memref_slice %arg5[%add3A_21] : memref<331776xi32, #tpu.memory_space<hbm>> -> memref<128xi32, #tpu.memory_space<hbm>>
        tpu.enqueue_dma source(%dma_start3A_32 : memref<128xi32, #tpu.memory_space<hbm>>) target(%arg9 : memref<128xi32, #tpu.memory_space<vmem>>) target_semaphore(%run_scoped3A : memref<!tpu.dma_semaphore, #tpu.memory_space<semaphore_mem>>)
        %dma_wait3A_33 = tpu.memref_slice %arg5[%add3A_21] : memref<331776xi32, #tpu.memory_space<hbm>> -> memref<128xi32, #tpu.memory_space<hbm>>
        %dma_wait3A_34 = tpu.memref_slice %arg5[%add3A_21] : memref<331776xi32, #tpu.memory_space<hbm>> -> memref<128xi32, #tpu.memory_space<hbm>>
        tpu.wait_dma2 semaphore(%run_scoped3A : memref<!tpu.dma_semaphore, #tpu.memory_space<semaphore_mem>>) src(%dma_wait3A_34 : memref<128xi32, #tpu.memory_space<hbm>>) dst(%arg9 : memref<128xi32, #tpu.memory_space<vmem>>)
        tpu.yield
      }) : () -> ()
      "tpu.region"() ({
        %run_scoped3A = tpu.sem_alloc : memref<!tpu.dma_semaphore, #tpu.memory_space<semaphore_mem>>
        %dma_start3A_31 = arith.constant 0 : i32
        %dma_start3A_32 = tpu.memref_slice %arg2[%add3A_21, %dma_start3A_31] : memref<331776x128xf32, #tpu.memory_space<hbm>> -> memref<128x128xf32, #tpu.memory_space<hbm>>
        %dma_start3A_33 = arith.constant 0 : i32
        %dma_start3A_34 = tpu.memref_slice %arg2[%add3A_21, %dma_start3A_33] : memref<331776x128xf32, #tpu.memory_space<hbm>> -> memref<128x128xf32, #tpu.memory_space<hbm>>
        tpu.enqueue_dma source(%dma_start3A_34 : memref<128x128xf32, #tpu.memory_space<hbm>>) target(%arg10 : memref<128x128xf32, #tpu.memory_space<vmem>>) target_semaphore(%run_scoped3A : memref<!tpu.dma_semaphore, #tpu.memory_space<semaphore_mem>>)
        %dma_wait3A_35 = arith.constant 0 : i32
        %dma_wait3A_36 = tpu.memref_slice %arg2[%add3A_21, %dma_wait3A_35] : memref<331776x128xf32, #tpu.memory_space<hbm>> -> memref<128x128xf32, #tpu.memory_space<hbm>>
        %dma_wait3A_37 = arith.constant 0 : i32
        %dma_wait3A_38 = tpu.memref_slice %arg2[%add3A_21, %dma_wait3A_37] : memref<331776x128xf32, #tpu.memory_space<hbm>> -> memref<128x128xf32, #tpu.memory_space<hbm>>
        tpu.wait_dma2 semaphore(%run_scoped3A : memref<!tpu.dma_semaphore, #tpu.memory_space<semaphore_mem>>) src(%dma_wait3A_38 : memref<128x128xf32, #tpu.memory_space<hbm>>) dst(%arg10 : memref<128x128xf32, #tpu.memory_space<vmem>>)
        tpu.yield
      }) : () -> ()
      %dma_start3A = arith.constant 0 : i32
      %dma_start3A_22 = arith.constant 0 : i32
      %dma_start3A_23 = tpu.memref_slice %arg3[%dma_start3A, %dma_start3A_22] : memref<10008x128xf32, #tpu.memory_space<hbm>> -> memref<10008x128xf32, #tpu.memory_space<hbm>>
      tpu.enqueue_indirect_dma source(%dma_start3A_23 : memref<10008x128xf32, #tpu.memory_space<hbm>>) target(%arg11 : memref<128x128xf32, #tpu.memory_space<vmem>>) offsets(%arg8 : memref<128xi32, #tpu.memory_space<vmem>>) semaphore(%arg13 : memref<!tpu.dma_semaphore, #tpu.memory_space<semaphore_mem>>)
      %dma_wait3A = arith.constant 0 : i32
      %dma_wait3A_24 = arith.constant 0 : i32
      %dma_wait3A_25 = tpu.memref_slice %arg3[%dma_wait3A, %dma_wait3A_24] : memref<10008x128xf32, #tpu.memory_space<hbm>> -> memref<10008x128xf32, #tpu.memory_space<hbm>>
      tpu.wait_indirect_dma semaphore(%arg13 : memref<!tpu.dma_semaphore, #tpu.memory_space<semaphore_mem>>) src(%dma_wait3A_25 : memref<10008x128xf32, #tpu.memory_space<hbm>>) dst(%arg11 : memref<128x128xf32, #tpu.memory_space<vmem>>)
      %scan3A_26 = arith.constant 0 : i32
      %scan3A_27 = arith.constant 128 : i32
      %scan3A_28 = arith.addi %scan3A_26, %scan3A_27 : i32
      %scan3A_29 = arith.constant 1 : i32
      scf.for %scan3A_31 = %scan3A_26 to %scan3A_28 step %scan3A_29  : i32 {
        %mul3A_32 = arith.constant 1 : i32
        %mul3A_33 = arith.muli %scan3A_31, %mul3A_32 : i32
        %add3A_34 = arith.constant 0 : i32
        %add3A_35 = arith.addi %add3A_34, %mul3A_33 : i32
        %get3A = arith.index_cast %add3A_35 : i32 to index
        %get3A_36 = arith.constant 0 : index
        %get3A_37 = tpu.vector_load %arg10[%get3A, %get3A_36] {strides = array<i32>} : memref<128x128xf32, #tpu.memory_space<vmem>>, vector<1x16xf32>,
        %get3A_38 = vector.shape_cast %get3A_37 : vector<1x16xf32> to vector<16xf32>
        %get3A_39 = arith.index_cast %add3A_35 : i32 to index
        %get3A_40 = arith.constant 0 : index
        %get3A_41 = tpu.vector_load %arg11[%get3A_39, %get3A_40] {strides = array<i32>} : memref<128x128xf32, #tpu.memory_space<vmem>>, vector<1x16xf32>,
        %get3A_42 = vector.shape_cast %get3A_41 : vector<1x16xf32> to vector<16xf32>
        %mul3A_43 = arith.mulf %get3A_38, %get3A_42 : vector<16xf32>
        %swap3A = arith.index_cast %add3A_35 : i32 to index
        %swap3A_44 = arith.constant 0 : index
        %swap3A_45 = tpu.vector_load %arg10[%swap3A, %swap3A_44] {strides = array<i32>} : memref<128x128xf32, #tpu.memory_space<vmem>>, vector<1x16xf32>,
        %swap3A_46 = vector.shape_cast %swap3A_45 : vector<1x16xf32> to vector<16xf32>
        %swap3A_47 = vector.shape_cast %mul3A_43 : vector<16xf32> to vector<1x16xf32>
        tpu.vector_store %arg10[%swap3A, %swap3A_44], %swap3A_47 {strides = array<i32>} : memref<128x128xf32, #tpu.memory_space<vmem>>, vector<1x16xf32>,
        %get3A_48 = arith.index_cast %add3A_35 : i32 to index
        %get3A_49 = arith.constant 16 : index
        %get3A_50 = tpu.vector_load %arg10[%get3A_48, %get3A_49] {strides = array<i32>} : memref<128x128xf32, #tpu.memory_space<vmem>>, vector<1x16xf32>,
        %get3A_51 = vector.shape_cast %get3A_50 : vector<1x16xf32> to vector<16xf32>
        %get3A_52 = arith.index_cast %add3A_35 : i32 to index
        %get3A_53 = arith.constant 16 : index
        %get3A_54 = tpu.vector_load %arg11[%get3A_52, %get3A_53] {strides = array<i32>} : memref<128x128xf32, #tpu.memory_space<vmem>>, vector<1x16xf32>,
        %get3A_55 = vector.shape_cast %get3A_54 : vector<1x16xf32> to vector<16xf32>
        %mul3A_56 = arith.mulf %get3A_51, %get3A_55 : vector<16xf32>
        %swap3A_57 = arith.index_cast %add3A_35 : i32 to index
        %swap3A_58 = arith.constant 16 : index
        %swap3A_59 = tpu.vector_load %arg10[%swap3A_57, %swap3A_58] {strides = array<i32>} : memref<128x128xf32, #tpu.memory_space<vmem>>, vector<1x16xf32>,
        %swap3A_60 = vector.shape_cast %swap3A_59 : vector<1x16xf32> to vector<16xf32>
        %swap3A_61 = vector.shape_cast %mul3A_56 : vector<16xf32> to vector<1x16xf32>
        tpu.vector_store %arg10[%swap3A_57, %swap3A_58], %swap3A_61 {strides = array<i32>} : memref<128x128xf32, #tpu.memory_space<vmem>>, vector<1x16xf32>,
        %get3A_62 = arith.index_cast %add3A_35 : i32 to index
        %get3A_63 = arith.constant 32 : index
        %get3A_64 = tpu.vector_load %arg10[%get3A_62, %get3A_63] {strides = array<i32>} : memref<128x128xf32, #tpu.memory_space<vmem>>, vector<1x16xf32>,
        %get3A_65 = vector.shape_cast %get3A_64 : vector<1x16xf32> to vector<16xf32>
        %get3A_66 = arith.index_cast %add3A_35 : i32 to index
        %get3A_67 = arith.constant 32 : index
        %get3A_68 = tpu.vector_load %arg11[%get3A_66, %get3A_67] {strides = array<i32>} : memref<128x128xf32, #tpu.memory_space<vmem>>, vector<1x16xf32>,
        %get3A_69 = vector.shape_cast %get3A_68 : vector<1x16xf32> to vector<16xf32>
        %mul3A_70 = arith.mulf %get3A_65, %get3A_69 : vector<16xf32>
        %swap3A_71 = arith.index_cast %add3A_35 : i32 to index
        %swap3A_72 = arith.constant 32 : index
        %swap3A_73 = tpu.vector_load %arg10[%swap3A_71, %swap3A_72] {strides = array<i32>} : memref<128x128xf32, #tpu.memory_space<vmem>>, vector<1x16xf32>,
        %swap3A_74 = vector.shape_cast %swap3A_73 : vector<1x16xf32> to vector<16xf32>
        %swap3A_75 = vector.shape_cast %mul3A_70 : vector<16xf32> to vector<1x16xf32>
        tpu.vector_store %arg10[%swap3A_71, %swap3A_72], %swap3A_75 {strides = array<i32>} : memref<128x128xf32, #tpu.memory_space<vmem>>, vector<1x16xf32>,
        %get3A_76 = arith.index_cast %add3A_35 : i32 to index
        %get3A_77 = arith.constant 48 : index
        %get3A_78 = tpu.vector_load %arg10[%get3A_76, %get3A_77] {strides = array<i32>} : memref<128x128xf32, #tpu.memory_space<vmem>>, vector<1x16xf32>,
        %get3A_79 = vector.shape_cast %get3A_78 : vector<1x16xf32> to vector<16xf32>
        %get3A_80 = arith.index_cast %add3A_35 : i32 to index
        %get3A_81 = arith.constant 48 : index
        %get3A_82 = tpu.vector_load %arg11[%get3A_80, %get3A_81] {strides = array<i32>} : memref<128x128xf32, #tpu.memory_space<vmem>>, vector<1x16xf32>,
        %get3A_83 = vector.shape_cast %get3A_82 : vector<1x16xf32> to vector<16xf32>
        %mul3A_84 = arith.mulf %get3A_79, %get3A_83 : vector<16xf32>
        %swap3A_85 = arith.index_cast %add3A_35 : i32 to index
        %swap3A_86 = arith.constant 48 : index
        %swap3A_87 = tpu.vector_load %arg10[%swap3A_85, %swap3A_86] {strides = array<i32>} : memref<128x128xf32, #tpu.memory_space<vmem>>, vector<1x16xf32>,
        %swap3A_88 = vector.shape_cast %swap3A_87 : vector<1x16xf32> to vector<16xf32>
        %swap3A_89 = vector.shape_cast %mul3A_84 : vector<16xf32> to vector<1x16xf32>
        tpu.vector_store %arg10[%swap3A_85, %swap3A_86], %swap3A_89 {strides = array<i32>} : memref<128x128xf32, #tpu.memory_space<vmem>>, vector<1x16xf32>,
        %get3A_90 = arith.index_cast %add3A_35 : i32 to index
        %get3A_91 = arith.constant 64 : index
        %get3A_92 = tpu.vector_load %arg10[%get3A_90, %get3A_91] {strides = array<i32>} : memref<128x128xf32, #tpu.memory_space<vmem>>, vector<1x16xf32>,
        %get3A_93 = vector.shape_cast %get3A_92 : vector<1x16xf32> to vector<16xf32>
        %get3A_94 = arith.index_cast %add3A_35 : i32 to index
        %get3A_95 = arith.constant 64 : index
        %get3A_96 = tpu.vector_load %arg11[%get3A_94, %get3A_95] {strides = array<i32>} : memref<128x128xf32, #tpu.memory_space<vmem>>, vector<1x16xf32>,
        %get3A_97 = vector.shape_cast %get3A_96 : vector<1x16xf32> to vector<16xf32>
        %mul3A_98 = arith.mulf %get3A_93, %get3A_97 : vector<16xf32>
        %swap3A_99 = arith.index_cast %add3A_35 : i32 to index
        %swap3A_100 = arith.constant 64 : index
        %swap3A_101 = tpu.vector_load %arg10[%swap3A_99, %swap3A_100] {strides = array<i32>} : memref<128x128xf32, #tpu.memory_space<vmem>>, vector<1x16xf32>,
        %swap3A_102 = vector.shape_cast %swap3A_101 : vector<1x16xf32> to vector<16xf32>
        %swap3A_103 = vector.shape_cast %mul3A_98 : vector<16xf32> to vector<1x16xf32>
        tpu.vector_store %arg10[%swap3A_99, %swap3A_100], %swap3A_103 {strides = array<i32>} : memref<128x128xf32, #tpu.memory_space<vmem>>, vector<1x16xf32>,
        %get3A_104 = arith.index_cast %add3A_35 : i32 to index
        %get3A_105 = arith.constant 80 : index
        %get3A_106 = tpu.vector_load %arg10[%get3A_104, %get3A_105] {strides = array<i32>} : memref<128x128xf32, #tpu.memory_space<vmem>>, vector<1x16xf32>,
        %get3A_107 = vector.shape_cast %get3A_106 : vector<1x16xf32> to vector<16xf32>
        %get3A_108 = arith.index_cast %add3A_35 : i32 to index
        %get3A_109 = arith.constant 80 : index
        %get3A_110 = tpu.vector_load %arg11[%get3A_108, %get3A_109] {strides = array<i32>} : memref<128x128xf32, #tpu.memory_space<vmem>>, vector<1x16xf32>,
        %get3A_111 = vector.shape_cast %get3A_110 : vector<1x16xf32> to vector<16xf32>
        %mul3A_112 = arith.mulf %get3A_107, %get3A_111 : vector<16xf32>
        %swap3A_113 = arith.index_cast %add3A_35 : i32 to index
        %swap3A_114 = arith.constant 80 : index
        %swap3A_115 = tpu.vector_load %arg10[%swap3A_113, %swap3A_114] {strides = array<i32>} : memref<128x128xf32, #tpu.memory_space<vmem>>, vector<1x16xf32>,
        %swap3A_116 = vector.shape_cast %swap3A_115 : vector<1x16xf32> to vector<16xf32>
        %swap3A_117 = vector.shape_cast %mul3A_112 : vector<16xf32> to vector<1x16xf32>
        tpu.vector_store %arg10[%swap3A_113, %swap3A_114], %swap3A_117 {strides = array<i32>} : memref<128x128xf32, #tpu.memory_space<vmem>>, vector<1x16xf32>,
        %get3A_118 = arith.index_cast %add3A_35 : i32 to index
        %get3A_119 = arith.constant 96 : index
        %get3A_120 = tpu.vector_load %arg10[%get3A_118, %get3A_119] {strides = array<i32>} : memref<128x128xf32, #tpu.memory_space<vmem>>, vector<1x16xf32>,
        %get3A_121 = vector.shape_cast %get3A_120 : vector<1x16xf32> to vector<16xf32>
        %get3A_122 = arith.index_cast %add3A_35 : i32 to index
        %get3A_123 = arith.constant 96 : index
        %get3A_124 = tpu.vector_load %arg11[%get3A_122, %get3A_123] {strides = array<i32>} : memref<128x128xf32, #tpu.memory_space<vmem>>, vector<1x16xf32>,
        %get3A_125 = vector.shape_cast %get3A_124 : vector<1x16xf32> to vector<16xf32>
        %mul3A_126 = arith.mulf %get3A_121, %get3A_125 : vector<16xf32>
        %swap3A_127 = arith.index_cast %add3A_35 : i32 to index
        %swap3A_128 = arith.constant 96 : index
        %swap3A_129 = tpu.vector_load %arg10[%swap3A_127, %swap3A_128] {strides = array<i32>} : memref<128x128xf32, #tpu.memory_space<vmem>>, vector<1x16xf32>,
        %swap3A_130 = vector.shape_cast %swap3A_129 : vector<1x16xf32> to vector<16xf32>
        %swap3A_131 = vector.shape_cast %mul3A_126 : vector<16xf32> to vector<1x16xf32>
        tpu.vector_store %arg10[%swap3A_127, %swap3A_128], %swap3A_131 {strides = array<i32>} : memref<128x128xf32, #tpu.memory_space<vmem>>, vector<1x16xf32>,
        %get3A_132 = arith.index_cast %add3A_35 : i32 to index
        %get3A_133 = arith.constant 112 : index
        %get3A_134 = tpu.vector_load %arg10[%get3A_132, %get3A_133] {strides = array<i32>} : memref<128x128xf32, #tpu.memory_space<vmem>>, vector<1x16xf32>,
        %get3A_135 = vector.shape_cast %get3A_134 : vector<1x16xf32> to vector<16xf32>
        %get3A_136 = arith.index_cast %add3A_35 : i32 to index
        %get3A_137 = arith.constant 112 : index
        %get3A_138 = tpu.vector_load %arg11[%get3A_136, %get3A_137] {strides = array<i32>} : memref<128x128xf32, #tpu.memory_space<vmem>>, vector<1x16xf32>,
        %get3A_139 = vector.shape_cast %get3A_138 : vector<1x16xf32> to vector<16xf32>
        %mul3A_140 = arith.mulf %get3A_135, %get3A_139 : vector<16xf32>
        %swap3A_141 = arith.index_cast %add3A_35 : i32 to index
        %swap3A_142 = arith.constant 112 : index
        %swap3A_143 = tpu.vector_load %arg10[%swap3A_141, %swap3A_142] {strides = array<i32>} : memref<128x128xf32, #tpu.memory_space<vmem>>, vector<1x16xf32>,
        %swap3A_144 = vector.shape_cast %swap3A_143 : vector<1x16xf32> to vector<16xf32>
        %swap3A_145 = vector.shape_cast %mul3A_140 : vector<16xf32> to vector<1x16xf32>
        tpu.vector_store %arg10[%swap3A_141, %swap3A_142], %swap3A_145 {strides = array<i32>} : memref<128x128xf32, #tpu.memory_space<vmem>>, vector<1x16xf32>,
      }
      %scan3A_30 = arith.constant 128 : i32
      "tpu.region"() ({
        %run_scoped3A = tpu.sem_alloc : memref<!tpu.dma_semaphore, #tpu.memory_space<semaphore_mem>>
        %dma_start3A_31 = arith.constant 0 : i32
        %dma_start3A_32 = arith.constant 0 : i32
        %dma_start3A_33 = tpu.memref_slice %arg12[%dma_start3A_31, %dma_start3A_32] : memref<10112x128xf32, #tpu.memory_space<vmem_shared>> -> memref<10112x128xf32, #tpu.memory_space<vmem_shared>>
        tpu.enqueue_indirect_dma source(%arg10 : memref<128x128xf32, #tpu.memory_space<vmem>>) target(%dma_start3A_33 : memref<10112x128xf32, #tpu.memory_space<vmem_shared>>) offsets(%arg9 : memref<128xi32, #tpu.memory_space<vmem>>) semaphore(%run_scoped3A : memref<!tpu.dma_semaphore, #tpu.memory_space<semaphore_mem>>) {add = true}
        %dma_wait3A_34 = arith.constant 0 : i32
        %dma_wait3A_35 = arith.constant 0 : i32
        %dma_wait3A_36 = tpu.memref_slice %arg12[%dma_wait3A_34, %dma_wait3A_35] : memref<10112x128xf32, #tpu.memory_space<vmem_shared>> -> memref<10112x128xf32, #tpu.memory_space<vmem_shared>>
        tpu.wait_indirect_dma semaphore(%run_scoped3A : memref<!tpu.dma_semaphore, #tpu.memory_space<semaphore_mem>>) src(%arg10 : memref<128x128xf32, #tpu.memory_space<vmem>>) dst(%dma_wait3A_36 : memref<10112x128xf32, #tpu.memory_space<vmem_shared>>)
        tpu.yield
      }) : () -> ()
    }
    %scan3A_8 = arith.constant 81 : i32
    %barrier3A_9 = arith.constant 0 : index
    tpu.barrier barrier_id(%barrier3A_9)
    %mul3A_10 = arith.constant 632 : i32
    %mul3A_11 = arith.muli %arg1, %mul3A_10 : i32
    %mul3A_12 = arith.constant 632 : i32
    %mul3A_13 = arith.muli %arg1, %mul3A_12 : i32
    "tpu.region"() ({
      %run_scoped3A = tpu.sem_alloc : memref<!tpu.dma_semaphore, #tpu.memory_space<semaphore_mem>>
      %dma_start3A = arith.constant 0 : i32
      %dma_start3A_14 = tpu.memref_slice %arg7[%arg0, %mul3A_13, %dma_start3A] : memref<2x10112x128xf32, #tpu.memory_space<hbm>> -> memref<1x632x128xf32, #tpu.memory_space<hbm>>
      %dma_start3A_15 = tpu.memref_squeeze %dma_start3A_14 : memref<1x632x128xf32, #tpu.memory_space<hbm>> -> memref<632x128xf32, #tpu.memory_space<hbm>>
      %dma_start3A_16 = arith.constant 0 : i32
      %dma_start3A_17 = tpu.memref_slice %arg12[%mul3A_11, %dma_start3A_16] : memref<10112x128xf32, #tpu.memory_space<vmem_shared>> -> memref<632x128xf32, #tpu.memory_space<vmem_shared>>
      tpu.enqueue_dma source(%dma_start3A_17 : memref<632x128xf32, #tpu.memory_space<vmem_shared>>) target(%dma_start3A_15 : memref<632x128xf32, #tpu.memory_space<hbm>>) target_semaphore(%run_scoped3A : memref<!tpu.dma_semaphore, #tpu.memory_space<semaphore_mem>>)
      %dma_wait3A = arith.constant 0 : i32
      %dma_wait3A_18 = tpu.memref_slice %arg7[%arg0, %mul3A_13, %dma_wait3A] : memref<2x10112x128xf32, #tpu.memory_space<hbm>> -> memref<1x632x128xf32, #tpu.memory_space<hbm>>
      %dma_wait3A_19 = tpu.memref_squeeze %dma_wait3A_18 : memref<1x632x128xf32, #tpu.memory_space<hbm>> -> memref<632x128xf32, #tpu.memory_space<hbm>>
      %dma_wait3A_20 = arith.constant 0 : i32
      %dma_wait3A_21 = tpu.memref_slice %arg12[%mul3A_11, %dma_wait3A_20] : memref<10112x128xf32, #tpu.memory_space<vmem_shared>> -> memref<632x128xf32, #tpu.memory_space<vmem_shared>>
      tpu.wait_dma2 semaphore(%run_scoped3A : memref<!tpu.dma_semaphore, #tpu.memory_space<semaphore_mem>>) src(%dma_wait3A_21 : memref<632x128xf32, #tpu.memory_space<vmem_shared>>) dst(%dma_wait3A_19 : memref<632x128xf32, #tpu.memory_space<hbm>>)
      tpu.yield
    }) : () -> ()
    return
  }
}

module attributes {stable_mosaic.version = 14 : i64} {
  func.func @_tc_prep_body(%arg0: memref<10000x8xf32, #tpu.memory_space<vmem>>, %arg1: memref<10000x128xf32, #tpu.memory_space<vmem>>, %arg2: memref<10000x128xf32, #tpu.memory_space<vmem>>, %arg3: memref<8x128xf32, #tpu.memory_space<vmem>>, %arg4: memref<8x128xf32, #tpu.memory_space<vmem>>, %arg5: memref<128x128xf32, #tpu.memory_space<vmem>>, %arg6: memref<128x128xf32, #tpu.memory_space<vmem>>, %arg7: memref<128x128xf32, #tpu.memory_space<vmem>>, %arg8: memref<10008x128xf32, #tpu.memory_space<vmem>>, %arg9: memref<10008x128xf32, #tpu.memory_space<vmem>>, %arg10: memref<10000x128xf32, #tpu.memory_space<vmem>>) attributes {dimension_semantics = [], scalar_prefetch = 0 : i64, scratch_operands = 0 : i64, tpu.core_type = #tpu.core_type<tc>} {
    %get3A = arith.constant 0 : index
    %get3A_0 = arith.constant 0 : index
    %get3A_1 = vector.load %arg0[%get3A, %get3A_0] : memref<10000x8xf32, #tpu.memory_space<vmem>>, vector<10000x8xf32>
    %get3A_2 = arith.constant 0 : index
    %get3A_3 = arith.constant 0 : index
    %get3A_4 = vector.load %arg1[%get3A_2, %get3A_3] : memref<10000x128xf32, #tpu.memory_space<vmem>>, vector<10000x128xf32>
    %get3A_5 = arith.constant 0 : index
    %get3A_6 = arith.constant 0 : index
    %get3A_7 = vector.load %arg3[%get3A_5, %get3A_6] : memref<8x128xf32, #tpu.memory_space<vmem>>, vector<8x128xf32>
    %dot_general3A = arith.constant dense<0.000000e+00> : vector<10000x128xf32>
    %dot_general3A_8 = tpu.matmul %get3A_1, %get3A_7, %dot_general3A {dimension_numbers = #tpu.dot_dimension_numbers<[1], [0], [0], [1], [0, 0, 1, 1], [], []>, transpose_lhs_hint = false} : vector<10000x8xf32>, vector<8x128xf32>, vector<10000x128xf32> -> vector<10000x128xf32>
    %get3A_9 = arith.constant 0 : index
    %get3A_10 = arith.constant 0 : index
    %get3A_11 = vector.load %arg5[%get3A_9, %get3A_10] : memref<128x128xf32, #tpu.memory_space<vmem>>, vector<128x128xf32>
    %dot_general3A_12 = arith.constant dense<0.000000e+00> : vector<10000x128xf32>
    %dot_general3A_13 = tpu.matmul %get3A_4, %get3A_11, %dot_general3A_12 {dimension_numbers = #tpu.dot_dimension_numbers<[1], [0], [0], [1], [0, 0, 1, 1], [], []>, transpose_lhs_hint = false} : vector<10000x128xf32>, vector<128x128xf32>, vector<10000x128xf32> -> vector<10000x128xf32>
    %add3A = arith.addf %dot_general3A_8, %dot_general3A_13 : vector<10000x128xf32>
    %swap3A = arith.constant 0 : index
    %swap3A_14 = arith.constant 0 : index
    %swap3A_15 = vector.load %arg8[%swap3A, %swap3A_14] : memref<10008x128xf32, #tpu.memory_space<vmem>>, vector<10000x128xf32>
    tpu.vector_store %arg8[%swap3A, %swap3A_14], %add3A {strides = array<i32>} : memref<10008x128xf32, #tpu.memory_space<vmem>>, vector<10000x128xf32>,
    %get3A_16 = arith.constant 0 : index
    %get3A_17 = arith.constant 0 : index
    %get3A_18 = vector.load %arg4[%get3A_16, %get3A_17] : memref<8x128xf32, #tpu.memory_space<vmem>>, vector<8x128xf32>
    %dot_general3A_19 = arith.constant dense<0.000000e+00> : vector<10000x128xf32>
    %dot_general3A_20 = tpu.matmul %get3A_1, %get3A_18, %dot_general3A_19 {dimension_numbers = #tpu.dot_dimension_numbers<[1], [0], [0], [1], [0, 0, 1, 1], [], []>, transpose_lhs_hint = false} : vector<10000x8xf32>, vector<8x128xf32>, vector<10000x128xf32> -> vector<10000x128xf32>
    %get3A_21 = arith.constant 0 : index
    %get3A_22 = arith.constant 0 : index
    %get3A_23 = vector.load %arg6[%get3A_21, %get3A_22] : memref<128x128xf32, #tpu.memory_space<vmem>>, vector<128x128xf32>
    %dot_general3A_24 = arith.constant dense<0.000000e+00> : vector<10000x128xf32>
    %dot_general3A_25 = tpu.matmul %get3A_4, %get3A_23, %dot_general3A_24 {dimension_numbers = #tpu.dot_dimension_numbers<[1], [0], [0], [1], [0, 0, 1, 1], [], []>, transpose_lhs_hint = false} : vector<10000x128xf32>, vector<128x128xf32>, vector<10000x128xf32> -> vector<10000x128xf32>
    %add3A_26 = arith.addf %dot_general3A_20, %dot_general3A_25 : vector<10000x128xf32>
    %swap3A_27 = arith.constant 0 : index
    %swap3A_28 = arith.constant 0 : index
    %swap3A_29 = vector.load %arg9[%swap3A_27, %swap3A_28] : memref<10008x128xf32, #tpu.memory_space<vmem>>, vector<10000x128xf32>
    tpu.vector_store %arg9[%swap3A_27, %swap3A_28], %add3A_26 {strides = array<i32>} : memref<10008x128xf32, #tpu.memory_space<vmem>>, vector<10000x128xf32>,
    %broadcast_in_dim3A = arith.constant 0.000000e+00 : f32
    %broadcast_in_dim3A_30 = vector.broadcast %broadcast_in_dim3A : f32 to vector<8x128xf32>
    %swap3A_31 = arith.constant 10000 : index
    %swap3A_32 = arith.constant 0 : index
    %swap3A_33 = vector.load %arg8[%swap3A_31, %swap3A_32] : memref<10008x128xf32, #tpu.memory_space<vmem>>, vector<8x128xf32>
    tpu.vector_store %arg8[%swap3A_31, %swap3A_32], %broadcast_in_dim3A_30 {strides = array<i32>} : memref<10008x128xf32, #tpu.memory_space<vmem>>, vector<8x128xf32>,
    %broadcast_in_dim3A_34 = arith.constant 0.000000e+00 : f32
    %broadcast_in_dim3A_35 = vector.broadcast %broadcast_in_dim3A_34 : f32 to vector<8x128xf32>
    %swap3A_36 = arith.constant 10000 : index
    %swap3A_37 = arith.constant 0 : index
    %swap3A_38 = vector.load %arg9[%swap3A_36, %swap3A_37] : memref<10008x128xf32, #tpu.memory_space<vmem>>, vector<8x128xf32>
    tpu.vector_store %arg9[%swap3A_36, %swap3A_37], %broadcast_in_dim3A_35 {strides = array<i32>} : memref<10008x128xf32, #tpu.memory_space<vmem>>, vector<8x128xf32>,
    %get3A_39 = arith.constant 0 : index
    %get3A_40 = arith.constant 0 : index
    %get3A_41 = vector.load %arg2[%get3A_39, %get3A_40] : memref<10000x128xf32, #tpu.memory_space<vmem>>, vector<10000x128xf32>
    %get3A_42 = arith.constant 0 : index
    %get3A_43 = arith.constant 0 : index
    %get3A_44 = vector.load %arg7[%get3A_42, %get3A_43] : memref<128x128xf32, #tpu.memory_space<vmem>>, vector<128x128xf32>
    %dot_general3A_45 = arith.constant dense<0.000000e+00> : vector<10000x128xf32>
    %dot_general3A_46 = tpu.matmul %get3A_41, %get3A_44, %dot_general3A_45 {dimension_numbers = #tpu.dot_dimension_numbers<[1], [0], [0], [1], [0, 0, 1, 1], [], []>, transpose_lhs_hint = false} : vector<10000x128xf32>, vector<128x128xf32>, vector<10000x128xf32> -> vector<10000x128xf32>
    %swap3A_47 = arith.constant 0 : index
    %swap3A_48 = arith.constant 0 : index
    %swap3A_49 = vector.load %arg10[%swap3A_47, %swap3A_48] : memref<10000x128xf32, #tpu.memory_space<vmem>>, vector<10000x128xf32>
    tpu.vector_store %arg10[%swap3A_47, %swap3A_48], %dot_general3A_46 {strides = array<i32>} : memref<10000x128xf32, #tpu.memory_space<vmem>>, vector<10000x128xf32>,
    return
  }
}

module attributes {stable_mosaic.version = 14 : i64} {
  func.func @_tc_stats_body(%arg0: i32, %arg1: memref<2048x128xf32, #tpu.memory_space<vmem>>, %arg2: memref<2x128xf32, #tpu.memory_space<vmem>>, %arg3: memref<2x128xf32, #tpu.memory_space<vmem>>) attributes {dimension_semantics = [#tpu.dimension_semantics<arbitrary>], iteration_bounds = array<i64: 162>, scalar_prefetch = 0 : i64, scratch_operands = 1 : i64, tpu.core_type = #tpu.core_type<tc>, window_params = [{transform_indices = @transform_0, window_bounds = array<i64: 2048, 128>}, {pipeline_mode = #tpu.pipeline_mode<synchronous>, transform_indices = @transform_1, window_bounds = array<i64: 2, 128>}]} {
    %eq3A = arith.constant 0 : i32
    %eq3A_0 = arith.cmpi eq, %arg0, %eq3A : i32
    %convert_element_type3A = arith.extui %eq3A_0 : i1 to i32
    %cond3A = arith.constant 0 : i32
    %cond3A_1 = arith.cmpi ne, %convert_element_type3A, %cond3A : i32
    scf.if %cond3A_1 {
      %broadcast_in_dim3A_25 = arith.constant 0.000000e+00 : f32
      %broadcast_in_dim3A_26 = vector.broadcast %broadcast_in_dim3A_25 : f32 to vector<2x128xf32>
      %swap3A_27 = arith.constant 0 : index
      %swap3A_28 = arith.constant 0 : index
      %swap3A_29 = vector.load %arg3[%swap3A_27, %swap3A_28] : memref<2x128xf32, #tpu.memory_space<vmem>>, vector<2x128xf32>
      tpu.vector_store %arg3[%swap3A_27, %swap3A_28], %broadcast_in_dim3A_26 {strides = array<i32>} : memref<2x128xf32, #tpu.memory_space<vmem>>, vector<2x128xf32>,
    } else {
    }
    %get3A = arith.constant 0 : index
    %get3A_2 = arith.constant 0 : index
    %get3A_3 = vector.load %arg1[%get3A, %get3A_2] : memref<2048x128xf32, #tpu.memory_space<vmem>>, vector<2048x128xf32>
    %get3A_4 = arith.constant 0 : index
    %get3A_5 = arith.constant 0 : index
    %get3A_6 = vector.load %arg3[%get3A_4, %get3A_5] : memref<2x128xf32, #tpu.memory_space<vmem>>, vector<1x128xf32>
    %reduce_sum3A = arith.constant dense<0.000000e+00> : vector<128xf32>
    %reduce_sum3A_7 = vector.multi_reduction <add>, %get3A_3, %reduce_sum3A [0] : vector<2048x128xf32> to vector<128xf32>
    %broadcast_in_dim3A = vector.shape_cast %reduce_sum3A_7 : vector<128xf32> to vector<1x128xf32>
    %add3A = arith.addf %get3A_6, %broadcast_in_dim3A : vector<1x128xf32>
    %swap3A = arith.constant 0 : index
    %swap3A_8 = arith.constant 0 : index
    %swap3A_9 = vector.load %arg3[%swap3A, %swap3A_8] : memref<2x128xf32, #tpu.memory_space<vmem>>, vector<1x128xf32>
    tpu.vector_store %arg3[%swap3A, %swap3A_8], %add3A {strides = array<i32>} : memref<2x128xf32, #tpu.memory_space<vmem>>, vector<1x128xf32>,
    %get3A_10 = arith.constant 1 : index
    %get3A_11 = arith.constant 0 : index
    %get3A_12 = vector.load %arg3[%get3A_10, %get3A_11] : memref<2x128xf32, #tpu.memory_space<vmem>>, vector<1x128xf32>
    %mul3A = arith.mulf %get3A_3, %get3A_3 : vector<2048x128xf32>
    %reduce_sum3A_13 = arith.constant dense<0.000000e+00> : vector<128xf32>
    %reduce_sum3A_14 = vector.multi_reduction <add>, %mul3A, %reduce_sum3A_13 [0] : vector<2048x128xf32> to vector<128xf32>
    %broadcast_in_dim3A_15 = vector.shape_cast %reduce_sum3A_14 : vector<128xf32> to vector<1x128xf32>
    %add3A_16 = arith.addf %get3A_12, %broadcast_in_dim3A_15 : vector<1x128xf32>
    %swap3A_17 = arith.constant 1 : index
    %swap3A_18 = arith.constant 0 : index
    %swap3A_19 = vector.load %arg3[%swap3A_17, %swap3A_18] : memref<2x128xf32, #tpu.memory_space<vmem>>, vector<1x128xf32>
    tpu.vector_store %arg3[%swap3A_17, %swap3A_18], %add3A_16 {strides = array<i32>} : memref<2x128xf32, #tpu.memory_space<vmem>>, vector<1x128xf32>,
    %eq3A_20 = arith.constant 161 : i32
    %eq3A_21 = arith.cmpi eq, %arg0, %eq3A_20 : i32
    %convert_element_type3A_22 = arith.extui %eq3A_21 : i1 to i32
    %cond3A_23 = arith.constant 0 : i32
    %cond3A_24 = arith.cmpi ne, %convert_element_type3A_22, %cond3A_23 : i32
    scf.if %cond3A_24 {
      %get3A_25 = arith.constant 0 : index
      %get3A_26 = arith.constant 0 : index
      %get3A_27 = vector.load %arg3[%get3A_25, %get3A_26] : memref<2x128xf32, #tpu.memory_space<vmem>>, vector<2x128xf32>
      %swap3A_28 = arith.constant 0 : index
      %swap3A_29 = arith.constant 0 : index
      %swap3A_30 = vector.load %arg2[%swap3A_28, %swap3A_29] : memref<2x128xf32, #tpu.memory_space<vmem>>, vector<2x128xf32>
      tpu.vector_store %arg2[%swap3A_28, %swap3A_29], %get3A_27 {strides = array<i32>} : memref<2x128xf32, #tpu.memory_space<vmem>>, vector<2x128xf32>,
    } else {
    }
    return
  }
  func.func @transform_0(%arg0: i32) -> (i32, i32) {
    %c0_i32 = arith.constant 0 : i32
    %c0_i32_0 = arith.constant 0 : i32
    return %arg0, %c0_i32 : i32, i32
  }
  func.func @transform_1(%arg0: i32) -> (i32, i32) {
    %c0_i32 = arith.constant 0 : i32
    %c0_i32_0 = arith.constant 0 : i32
    %c0_i32_1 = arith.constant 0 : i32
    return %c0_i32, %c0_i32_0 : i32, i32
  }
}

module attributes {stable_mosaic.version = 14 : i64} {
  func.func @_tc_layer1_body(%arg0: i32, %arg1: memref<2048x128xf32, #tpu.memory_space<vmem>>, %arg2: memref<1x128xf32, #tpu.memory_space<vmem>>, %arg3: memref<1x128xf32, #tpu.memory_space<vmem>>, %arg4: memref<128x128xf32, #tpu.memory_space<vmem>>, %arg5: memref<2048x128xf32, #tpu.memory_space<vmem>>, %arg6: memref<2x128xf32, #tpu.memory_space<vmem>>, %arg7: memref<2x128xf32, #tpu.memory_space<vmem>>) attributes {dimension_semantics = [#tpu.dimension_semantics<arbitrary>], iteration_bounds = array<i64: 162>, scalar_prefetch = 0 : i64, scratch_operands = 1 : i64, tpu.core_type = #tpu.core_type<tc>, window_params = [{transform_indices = @transform_0, window_bounds = array<i64: 2048, 128>}, {pipeline_mode = #tpu.pipeline_mode<synchronous>, transform_indices = @transform_1, window_bounds = array<i64: 1, 128>}, {pipeline_mode = #tpu.pipeline_mode<synchronous>, transform_indices = @transform_2, window_bounds = array<i64: 1, 128>}, {pipeline_mode = #tpu.pipeline_mode<synchronous>, transform_indices = @transform_3, window_bounds = array<i64: 128, 128>}, {transform_indices = @transform_4, window_bounds = array<i64: 2048, 128>}, {pipeline_mode = #tpu.pipeline_mode<synchronous>, transform_indices = @transform_5, window_bounds = array<i64: 2, 128>}]} {
    %eq3A = arith.constant 0 : i32
    %eq3A_0 = arith.cmpi eq, %arg0, %eq3A : i32
    %convert_element_type3A = arith.extui %eq3A_0 : i1 to i32
    %cond3A = arith.constant 0 : i32
    %cond3A_1 = arith.cmpi ne, %convert_element_type3A, %cond3A : i32
    scf.if %cond3A_1 {
      %broadcast_in_dim3A_58 = arith.constant 0.000000e+00 : f32
      %broadcast_in_dim3A_59 = vector.broadcast %broadcast_in_dim3A_58 : f32 to vector<2x128xf32>
      %swap3A_60 = arith.constant 0 : index
      %swap3A_61 = arith.constant 0 : index
      %swap3A_62 = vector.load %arg7[%swap3A_60, %swap3A_61] : memref<2x128xf32, #tpu.memory_space<vmem>>, vector<2x128xf32>
      tpu.vector_store %arg7[%swap3A_60, %swap3A_61], %broadcast_in_dim3A_59 {strides = array<i32>} : memref<2x128xf32, #tpu.memory_space<vmem>>, vector<2x128xf32>,
    } else {
    }
    %get3A = arith.constant 0 : index
    %get3A_2 = arith.constant 0 : index
    %get3A_3 = vector.load %arg1[%get3A, %get3A_2] : memref<2048x128xf32, #tpu.memory_space<vmem>>, vector<2048x128xf32>
    %get3A_4 = arith.constant 0 : index
    %get3A_5 = arith.constant 0 : index
    %get3A_6 = vector.load %arg2[%get3A_4, %get3A_5] : memref<1x128xf32, #tpu.memory_space<vmem>>, vector<1x128xf32>
    %mul3A = vector.broadcast %get3A_6 : vector<1x128xf32> to vector<2048x128xf32>
    %mul3A_7 = arith.mulf %get3A_3, %mul3A : vector<2048x128xf32>
    %get3A_8 = arith.constant 0 : index
    %get3A_9 = arith.constant 0 : index
    %get3A_10 = vector.load %arg3[%get3A_8, %get3A_9] : memref<1x128xf32, #tpu.memory_space<vmem>>, vector<1x128xf32>
    %add3A = vector.broadcast %get3A_10 : vector<1x128xf32> to vector<2048x128xf32>
    %add3A_11 = arith.addf %mul3A_7, %add3A : vector<2048x128xf32>
    %gt3A = arith.constant 0.000000e+00 : f32
    %gt3A_12 = vector.broadcast %gt3A : f32 to vector<2048x128xf32>
    %gt3A_13 = arith.cmpf ogt, %add3A_11, %gt3A_12 : vector<2048x128xf32>
    %min3A = arith.constant 0.000000e+00 : f32
    %min3A_14 = vector.broadcast %min3A : f32 to vector<2048x128xf32>
    %min3A_15 = arith.minimumf %add3A_11, %min3A_14 : vector<2048x128xf32>
    %exp3A = math.exp %min3A_15 : vector<2048x128xf32>
    %sub3A = arith.constant 1.000000e+00 : f32
    %sub3A_16 = vector.broadcast %sub3A : f32 to vector<2048x128xf32>
    %sub3A_17 = arith.subf %exp3A, %sub3A_16 : vector<2048x128xf32>
    %select_n3A = arith.select %gt3A_13, %add3A_11, %sub3A_17 : vector<2048x128xi1>, vector<2048x128xf32>
    %mul3A_18 = arith.constant 2048 : i32
    %mul3A_19 = arith.muli %arg0, %mul3A_18 : i32
    %iota3A = tpu.iota {dimensions = array<i32: 0>} : vector<2048x1xi32>
    %add3A_20 = vector.broadcast %mul3A_19 : i32 to vector<2048x1xi32>
    %add3A_21 = arith.addi %add3A_20, %iota3A : vector<2048x1xi32>
    %lt3A = arith.constant 330000 : i32
    %lt3A_22 = vector.broadcast %lt3A : i32 to vector<2048x1xi32>
    %lt3A_23 = arith.cmpi slt, %add3A_21, %lt3A_22 : vector<2048x1xi32>
    %jit3A = arith.constant 0.000000e+00 : f32
    %broadcast_in_dim3A = vector.shape_cast %lt3A_23 : vector<2048x1xi1> to vector<2048x1xi1>
    %broadcast_in_dim3A_24 = vector.broadcast %broadcast_in_dim3A : vector<2048x1xi1> to vector<2048x128xi1>
    %broadcast_in_dim3A_25 = vector.broadcast %jit3A : f32 to vector<2048x128xf32>
    %select_n3A_26 = arith.select %broadcast_in_dim3A_24, %select_n3A, %broadcast_in_dim3A_25 : vector<2048x128xi1>, vector<2048x128xf32>
    %get3A_27 = arith.constant 0 : index
    %get3A_28 = arith.constant 0 : index
    %get3A_29 = vector.load %arg4[%get3A_27, %get3A_28] : memref<128x128xf32, #tpu.memory_space<vmem>>, vector<128x128xf32>
    %dot_general3A = arith.constant dense<0.000000e+00> : vector<2048x128xf32>
    %dot_general3A_30 = tpu.matmul %select_n3A_26, %get3A_29, %dot_general3A {dimension_numbers = #tpu.dot_dimension_numbers<[1], [0], [0], [1], [0, 0, 1, 1], [], []>, transpose_lhs_hint = false} : vector<2048x128xf32>, vector<128x128xf32>, vector<2048x128xf32> -> vector<2048x128xf32>
    %swap3A = arith.constant 0 : index
    %swap3A_31 = arith.constant 0 : index
    %swap3A_32 = vector.load %arg5[%swap3A, %swap3A_31] : memref<2048x128xf32, #tpu.memory_space<vmem>>, vector<2048x128xf32>
    tpu.vector_store %arg5[%swap3A, %swap3A_31], %dot_general3A_30 {strides = array<i32>} : memref<2048x128xf32, #tpu.memory_space<vmem>>, vector<2048x128xf32>,
    %get3A_33 = arith.constant 0 : index
    %get3A_34 = arith.constant 0 : index
    %get3A_35 = vector.load %arg7[%get3A_33, %get3A_34] : memref<2x128xf32, #tpu.memory_space<vmem>>, vector<1x128xf32>
    %reduce_sum3A = arith.constant dense<0.000000e+00> : vector<128xf32>
    %reduce_sum3A_36 = vector.multi_reduction <add>, %dot_general3A_30, %reduce_sum3A [0] : vector<2048x128xf32> to vector<128xf32>
    %broadcast_in_dim3A_37 = vector.shape_cast %reduce_sum3A_36 : vector<128xf32> to vector<1x128xf32>
    %add3A_38 = arith.addf %get3A_35, %broadcast_in_dim3A_37 : vector<1x128xf32>
    %swap3A_39 = arith.constant 0 : index
    %swap3A_40 = arith.constant 0 : index
    %swap3A_41 = vector.load %arg7[%swap3A_39, %swap3A_40] : memref<2x128xf32, #tpu.memory_space<vmem>>, vector<1x128xf32>
    tpu.vector_store %arg7[%swap3A_39, %swap3A_40], %add3A_38 {strides = array<i32>} : memref<2x128xf32, #tpu.memory_space<vmem>>, vector<1x128xf32>,
    %get3A_42 = arith.constant 1 : index
    %get3A_43 = arith.constant 0 : index
    %get3A_44 = vector.load %arg7[%get3A_42, %get3A_43] : memref<2x128xf32, #tpu.memory_space<vmem>>, vector<1x128xf32>
    %mul3A_45 = arith.mulf %dot_general3A_30, %dot_general3A_30 : vector<2048x128xf32>
    %reduce_sum3A_46 = arith.constant dense<0.000000e+00> : vector<128xf32>
    %reduce_sum3A_47 = vector.multi_reduction <add>, %mul3A_45, %reduce_sum3A_46 [0] : vector<2048x128xf32> to vector<128xf32>
    %broadcast_in_dim3A_48 = vector.shape_cast %reduce_sum3A_47 : vector<128xf32> to vector<1x128xf32>
    %add3A_49 = arith.addf %get3A_44, %broadcast_in_dim3A_48 : vector<1x128xf32>
    %swap3A_50 = arith.constant 1 : index
    %swap3A_51 = arith.constant 0 : index
    %swap3A_52 = vector.load %arg7[%swap3A_50, %swap3A_51] : memref<2x128xf32, #tpu.memory_space<vmem>>, vector<1x128xf32>
    tpu.vector_store %arg7[%swap3A_50, %swap3A_51], %add3A_49 {strides = array<i32>} : memref<2x128xf32, #tpu.memory_space<vmem>>, vector<1x128xf32>,
    %eq3A_53 = arith.constant 161 : i32
    %eq3A_54 = arith.cmpi eq, %arg0, %eq3A_53 : i32
    %convert_element_type3A_55 = arith.extui %eq3A_54 : i1 to i32
    %cond3A_56 = arith.constant 0 : i32
    %cond3A_57 = arith.cmpi ne, %convert_element_type3A_55, %cond3A_56 : i32
    scf.if %cond3A_57 {
      %get3A_58 = arith.constant 0 : index
      %get3A_59 = arith.constant 0 : index
      %get3A_60 = vector.load %arg7[%get3A_58, %get3A_59] : memref<2x128xf32, #tpu.memory_space<vmem>>, vector<2x128xf32>
      %swap3A_61 = arith.constant 0 : index
      %swap3A_62 = arith.constant 0 : index
      %swap3A_63 = vector.load %arg6[%swap3A_61, %swap3A_62] : memref<2x128xf32, #tpu.memory_space<vmem>>, vector<2x128xf32>
      tpu.vector_store %arg6[%swap3A_61, %swap3A_62], %get3A_60 {strides = array<i32>} : memref<2x128xf32, #tpu.memory_space<vmem>>, vector<2x128xf32>,
    } else {
    }
    return
  }
  func.func @transform_0(%arg0: i32) -> (i32, i32) {
    %c0_i32 = arith.constant 0 : i32
    %c0_i32_0 = arith.constant 0 : i32
    return %arg0, %c0_i32 : i32, i32
  }
  func.func @transform_1(%arg0: i32) -> (i32, i32) {
    %c0_i32 = arith.constant 0 : i32
    %c0_i32_0 = arith.constant 0 : i32
    %c0_i32_1 = arith.constant 0 : i32
    return %c0_i32, %c0_i32_0 : i32, i32
  }
  func.func @transform_2(%arg0: i32) -> (i32, i32) {
    %c0_i32 = arith.constant 0 : i32
    %c0_i32_0 = arith.constant 0 : i32
    %c0_i32_1 = arith.constant 0 : i32
    return %c0_i32, %c0_i32_0 : i32, i32
  }
  func.func @transform_3(%arg0: i32) -> (i32, i32) {
    %c0_i32 = arith.constant 0 : i32
    %c0_i32_0 = arith.constant 0 : i32
    %c0_i32_1 = arith.constant 0 : i32
    return %c0_i32, %c0_i32_0 : i32, i32
  }
  func.func @transform_4(%arg0: i32) -> (i32, i32) {
    %c0_i32 = arith.constant 0 : i32
    %c0_i32_0 = arith.constant 0 : i32
    return %arg0, %c0_i32 : i32, i32
  }
  func.func @transform_5(%arg0: i32) -> (i32, i32) {
    %c0_i32 = arith.constant 0 : i32
    %c0_i32_0 = arith.constant 0 : i32
    %c0_i32_1 = arith.constant 0 : i32
    return %c0_i32, %c0_i32_0 : i32, i32
  }
}

module attributes {stable_mosaic.version = 14 : i64} {
  func.func @_tc_layer2_body(%arg0: i32, %arg1: memref<2048x128xf32, #tpu.memory_space<vmem>>, %arg2: memref<1x128xf32, #tpu.memory_space<vmem>>, %arg3: memref<1x128xf32, #tpu.memory_space<vmem>>, %arg4: memref<128x128xf32, #tpu.memory_space<vmem>>, %arg5: memref<1x128xf32, #tpu.memory_space<vmem>>, %arg6: memref<2048x128xf32, #tpu.memory_space<vmem>>) attributes {dimension_semantics = [#tpu.dimension_semantics<arbitrary>], iteration_bounds = array<i64: 162>, scalar_prefetch = 0 : i64, scratch_operands = 0 : i64, tpu.core_type = #tpu.core_type<tc>, window_params = [{transform_indices = @transform_0, window_bounds = array<i64: 2048, 128>}, {pipeline_mode = #tpu.pipeline_mode<synchronous>, transform_indices = @transform_1, window_bounds = array<i64: 1, 128>}, {pipeline_mode = #tpu.pipeline_mode<synchronous>, transform_indices = @transform_2, window_bounds = array<i64: 1, 128>}, {pipeline_mode = #tpu.pipeline_mode<synchronous>, transform_indices = @transform_3, window_bounds = array<i64: 128, 128>}, {pipeline_mode = #tpu.pipeline_mode<synchronous>, transform_indices = @transform_4, window_bounds = array<i64: 1, 128>}, {transform_indices = @transform_5, window_bounds = array<i64: 2048, 128>}]} {
    %get3A = arith.constant 0 : index
    %get3A_0 = arith.constant 0 : index
    %get3A_1 = vector.load %arg1[%get3A, %get3A_0] : memref<2048x128xf32, #tpu.memory_space<vmem>>, vector<2048x128xf32>
    %get3A_2 = arith.constant 0 : index
    %get3A_3 = arith.constant 0 : index
    %get3A_4 = vector.load %arg2[%get3A_2, %get3A_3] : memref<1x128xf32, #tpu.memory_space<vmem>>, vector<1x128xf32>
    %mul3A = vector.broadcast %get3A_4 : vector<1x128xf32> to vector<2048x128xf32>
    %mul3A_5 = arith.mulf %get3A_1, %mul3A : vector<2048x128xf32>
    %get3A_6 = arith.constant 0 : index
    %get3A_7 = arith.constant 0 : index
    %get3A_8 = vector.load %arg3[%get3A_6, %get3A_7] : memref<1x128xf32, #tpu.memory_space<vmem>>, vector<1x128xf32>
    %add3A = vector.broadcast %get3A_8 : vector<1x128xf32> to vector<2048x128xf32>
    %add3A_9 = arith.addf %mul3A_5, %add3A : vector<2048x128xf32>
    %gt3A = arith.constant 0.000000e+00 : f32
    %gt3A_10 = vector.broadcast %gt3A : f32 to vector<2048x128xf32>
    %gt3A_11 = arith.cmpf ogt, %add3A_9, %gt3A_10 : vector<2048x128xf32>
    %min3A = arith.constant 0.000000e+00 : f32
    %min3A_12 = vector.broadcast %min3A : f32 to vector<2048x128xf32>
    %min3A_13 = arith.minimumf %add3A_9, %min3A_12 : vector<2048x128xf32>
    %exp3A = math.exp %min3A_13 : vector<2048x128xf32>
    %sub3A = arith.constant 1.000000e+00 : f32
    %sub3A_14 = vector.broadcast %sub3A : f32 to vector<2048x128xf32>
    %sub3A_15 = arith.subf %exp3A, %sub3A_14 : vector<2048x128xf32>
    %select_n3A = arith.select %gt3A_11, %add3A_9, %sub3A_15 : vector<2048x128xi1>, vector<2048x128xf32>
    %get3A_16 = arith.constant 0 : index
    %get3A_17 = arith.constant 0 : index
    %get3A_18 = vector.load %arg4[%get3A_16, %get3A_17] : memref<128x128xf32, #tpu.memory_space<vmem>>, vector<128x128xf32>
    %dot_general3A = arith.constant dense<0.000000e+00> : vector<2048x128xf32>
    %dot_general3A_19 = tpu.matmul %select_n3A, %get3A_18, %dot_general3A {dimension_numbers = #tpu.dot_dimension_numbers<[1], [0], [0], [1], [0, 0, 1, 1], [], []>, transpose_lhs_hint = false} : vector<2048x128xf32>, vector<128x128xf32>, vector<2048x128xf32> -> vector<2048x128xf32>
    %get3A_20 = arith.constant 0 : index
    %get3A_21 = arith.constant 0 : index
    %get3A_22 = vector.load %arg5[%get3A_20, %get3A_21] : memref<1x128xf32, #tpu.memory_space<vmem>>, vector<1x128xf32>
    %add3A_23 = vector.broadcast %get3A_22 : vector<1x128xf32> to vector<2048x128xf32>
    %add3A_24 = arith.addf %dot_general3A_19, %add3A_23 : vector<2048x128xf32>
    %swap3A = arith.constant 0 : index
    %swap3A_25 = arith.constant 0 : index
    %swap3A_26 = vector.load %arg6[%swap3A, %swap3A_25] : memref<2048x128xf32, #tpu.memory_space<vmem>>, vector<2048x128xf32>
    tpu.vector_store %arg6[%swap3A, %swap3A_25], %add3A_24 {strides = array<i32>} : memref<2048x128xf32, #tpu.memory_space<vmem>>, vector<2048x128xf32>,
    return
  }
  func.func @transform_0(%arg0: i32) -> (i32, i32) {
    %c0_i32 = arith.constant 0 : i32
    %c0_i32_0 = arith.constant 0 : i32
    return %arg0, %c0_i32 : i32, i32
  }
  func.func @transform_1(%arg0: i32) -> (i32, i32) {
    %c0_i32 = arith.constant 0 : i32
    %c0_i32_0 = arith.constant 0 : i32
    %c0_i32_1 = arith.constant 0 : i32
    return %c0_i32, %c0_i32_0 : i32, i32
  }
  func.func @transform_2(%arg0: i32) -> (i32, i32) {
    %c0_i32 = arith.constant 0 : i32
    %c0_i32_0 = arith.constant 0 : i32
    %c0_i32_1 = arith.constant 0 : i32
    return %c0_i32, %c0_i32_0 : i32, i32
  }
  func.func @transform_3(%arg0: i32) -> (i32, i32) {
    %c0_i32 = arith.constant 0 : i32
    %c0_i32_0 = arith.constant 0 : i32
    %c0_i32_1 = arith.constant 0 : i32
    return %c0_i32, %c0_i32_0 : i32, i32
  }
  func.func @transform_4(%arg0: i32) -> (i32, i32) {
    %c0_i32 = arith.constant 0 : i32
    %c0_i32_0 = arith.constant 0 : i32
    %c0_i32_1 = arith.constant 0 : i32
    return %c0_i32, %c0_i32_0 : i32, i32
  }
  func.func @transform_5(%arg0: i32) -> (i32, i32) {
    %c0_i32 = arith.constant 0 : i32
    %c0_i32_0 = arith.constant 0 : i32
    return %arg0, %c0_i32 : i32, i32
  }
}

module attributes {stable_mosaic.version = 14 : i64} {
  func.func @_tc_final_body(%arg0: memref<10000x128xf32, #tpu.memory_space<vmem>>, %arg1: memref<2x10112x128xf32, #tpu.memory_space<vmem>>, %arg2: memref<2x10112x16xf32, #tpu.memory_space<vmem>>, %arg3: memref<1x128xf32, #tpu.memory_space<vmem>>, %arg4: memref<1x128xf32, #tpu.memory_space<vmem>>, %arg5: memref<10000x128xf32, #tpu.memory_space<vmem>>) attributes {dimension_semantics = [], scalar_prefetch = 0 : i64, scratch_operands = 0 : i64, tpu.core_type = #tpu.core_type<tc>} {
    %get3A = arith.constant 0 : index
    %get3A_0 = arith.constant 0 : index
    %get3A_1 = arith.constant 0 : index
    %get3A_2 = vector.load %arg1[%get3A, %get3A_0, %get3A_1] : memref<2x10112x128xf32, #tpu.memory_space<vmem>>, vector<1x10000x128xf32>
    %get3A_3 = vector.shape_cast %get3A_2 : vector<1x10000x128xf32> to vector<10000x128xf32>
    %get3A_4 = arith.constant 1 : index
    %get3A_5 = arith.constant 0 : index
    %get3A_6 = arith.constant 0 : index
    %get3A_7 = vector.load %arg1[%get3A_4, %get3A_5, %get3A_6] : memref<2x10112x128xf32, #tpu.memory_space<vmem>>, vector<1x10000x128xf32>
    %get3A_8 = vector.shape_cast %get3A_7 : vector<1x10000x128xf32> to vector<10000x128xf32>
    %add3A = arith.addf %get3A_3, %get3A_8 : vector<10000x128xf32>
    %get3A_9 = arith.constant 0 : index
    %get3A_10 = arith.constant 0 : index
    %get3A_11 = arith.constant 0 : index
    %get3A_12 = vector.load %arg2[%get3A_9, %get3A_10, %get3A_11] : memref<2x10112x16xf32, #tpu.memory_space<vmem>>, vector<1x10000x1xf32>
    %get3A_13 = vector.shape_cast %get3A_12 : vector<1x10000x1xf32> to vector<10000x1xf32>
    %get3A_14 = arith.constant 1 : index
    %get3A_15 = arith.constant 0 : index
    %get3A_16 = arith.constant 0 : index
    %get3A_17 = vector.load %arg2[%get3A_14, %get3A_15, %get3A_16] : memref<2x10112x16xf32, #tpu.memory_space<vmem>>, vector<1x10000x1xf32>
    %get3A_18 = vector.shape_cast %get3A_17 : vector<1x10000x1xf32> to vector<10000x1xf32>
    %add3A_19 = arith.addf %get3A_13, %get3A_18 : vector<10000x1xf32>
    %get3A_20 = arith.constant 0 : index
    %get3A_21 = arith.constant 0 : index
    %get3A_22 = vector.load %arg0[%get3A_20, %get3A_21] : memref<10000x128xf32, #tpu.memory_space<vmem>>, vector<10000x128xf32>
    %div3A = vector.broadcast %add3A_19 : vector<10000x1xf32> to vector<10000x128xf32>
    %div3A_23 = arith.divf %add3A, %div3A : vector<10000x128xf32>
    %add3A_24 = arith.addf %get3A_22, %div3A_23 : vector<10000x128xf32>
    %reduce_sum3A = arith.constant dense<0.000000e+00> : vector<128xf32>
    %reduce_sum3A_25 = vector.multi_reduction <add>, %add3A_24, %reduce_sum3A [0] : vector<10000x128xf32> to vector<128xf32>
    %broadcast_in_dim3A = vector.shape_cast %reduce_sum3A_25 : vector<128xf32> to vector<1x128xf32>
    %div3A_26 = arith.constant 1.000000e+04 : f32
    %div3A_27 = vector.broadcast %div3A_26 : f32 to vector<1x128xf32>
    %div3A_28 = arith.divf %broadcast_in_dim3A, %div3A_27 : vector<1x128xf32>
    %mul3A = arith.mulf %add3A_24, %add3A_24 : vector<10000x128xf32>
    %reduce_sum3A_29 = arith.constant dense<0.000000e+00> : vector<128xf32>
    %reduce_sum3A_30 = vector.multi_reduction <add>, %mul3A, %reduce_sum3A_29 [0] : vector<10000x128xf32> to vector<128xf32>
    %broadcast_in_dim3A_31 = vector.shape_cast %reduce_sum3A_30 : vector<128xf32> to vector<1x128xf32>
    %div3A_32 = arith.constant 1.000000e+04 : f32
    %div3A_33 = vector.broadcast %div3A_32 : f32 to vector<1x128xf32>
    %div3A_34 = arith.divf %broadcast_in_dim3A_31, %div3A_33 : vector<1x128xf32>
    %mul3A_35 = arith.mulf %div3A_28, %div3A_28 : vector<1x128xf32>
    %sub3A = arith.subf %div3A_34, %mul3A_35 : vector<1x128xf32>
    %get3A_36 = arith.constant 0 : index
    %get3A_37 = arith.constant 0 : index
    %get3A_38 = vector.load %arg3[%get3A_36, %get3A_37] : memref<1x128xf32, #tpu.memory_space<vmem>>, vector<1x128xf32>
    %sub3A_39 = vector.broadcast %div3A_28 : vector<1x128xf32> to vector<10000x128xf32>
    %sub3A_40 = arith.subf %add3A_24, %sub3A_39 : vector<10000x128xf32>
    %mul3A_41 = vector.broadcast %get3A_38 : vector<1x128xf32> to vector<10000x128xf32>
    %mul3A_42 = arith.mulf %mul3A_41, %sub3A_40 : vector<10000x128xf32>
    %add3A_43 = arith.constant 9.99999974E-6 : f32
    %add3A_44 = vector.broadcast %add3A_43 : f32 to vector<1x128xf32>
    %add3A_45 = arith.addf %sub3A, %add3A_44 : vector<1x128xf32>
    %rsqrt3A = math.rsqrt %add3A_45 : vector<1x128xf32>
    %mul3A_46 = vector.broadcast %rsqrt3A : vector<1x128xf32> to vector<10000x128xf32>
    %mul3A_47 = arith.mulf %mul3A_42, %mul3A_46 : vector<10000x128xf32>
    %get3A_48 = arith.constant 0 : index
    %get3A_49 = arith.constant 0 : index
    %get3A_50 = vector.load %arg4[%get3A_48, %get3A_49] : memref<1x128xf32, #tpu.memory_space<vmem>>, vector<1x128xf32>
    %add3A_51 = vector.broadcast %get3A_50 : vector<1x128xf32> to vector<10000x128xf32>
    %add3A_52 = arith.addf %mul3A_47, %add3A_51 : vector<10000x128xf32>
    %gt3A = arith.constant 0.000000e+00 : f32
    %gt3A_53 = vector.broadcast %gt3A : f32 to vector<10000x128xf32>
    %gt3A_54 = arith.cmpf ogt, %add3A_52, %gt3A_53 : vector<10000x128xf32>
    %min3A = arith.constant 0.000000e+00 : f32
    %min3A_55 = vector.broadcast %min3A : f32 to vector<10000x128xf32>
    %min3A_56 = arith.minimumf %add3A_52, %min3A_55 : vector<10000x128xf32>
    %exp3A = math.exp %min3A_56 : vector<10000x128xf32>
    %sub3A_57 = arith.constant 1.000000e+00 : f32
    %sub3A_58 = vector.broadcast %sub3A_57 : f32 to vector<10000x128xf32>
    %sub3A_59 = arith.subf %exp3A, %sub3A_58 : vector<10000x128xf32>
    %select_n3A = arith.select %gt3A_54, %add3A_52, %sub3A_59 : vector<10000x128xi1>, vector<10000x128xf32>
    %swap3A = arith.constant 0 : index
    %swap3A_60 = arith.constant 0 : index
    %swap3A_61 = vector.load %arg5[%swap3A, %swap3A_60] : memref<10000x128xf32, #tpu.memory_space<vmem>>, vector<10000x128xf32>
    tpu.vector_store %arg5[%swap3A, %swap3A_60], %select_n3A {strides = array<i32>} : memref<10000x128xf32, #tpu.memory_space<vmem>>, vector<10000x128xf32>,
    return
  }
}

</mosaic_0001>

<sc_bundles>
// kernel: kernel.12.cloned.1.call-start
scs
__scs_entry_jumppad:
0x0: {  	(pc) =	sbr.rel $0x88, $3  }
0x1: {  	(tag) =	ssettag $0x0;
	lr =	simm.s32 $0x1  }
0x2: {  	[smem:$0x3F92] =	sst lr;
	_ =	strace $0xD0000000  }
0x3: {  	_ = 	snop  }
0x4: {  	_ = 	snop  }
0x5: {  	_ = 	snop  }
0x6: {  	_ = 	snop  }
0x7: {  	_ = 	snop  }
__scs_overlays_trampoline_lowered:
0x8: {  	[smem:$0x3FA1] =	sst s0  }
0x9: {  	[smem:$0x3FA2] =	sst s1  }
0xa: {  	[smem:$0x3FA3] =	sst s2  }
0xb: {  	[smem:$0x3FA4] =	sst s3  }
0xc: {  	[smem:$0x3FA5] =	sst s4  }
0xd: {  	[smem:$0x3FA6] =	sst s5  }
0xe: {  	[smem:$0x3FA7] =	sst s6  }
0xf: {  	[smem:$0x3FA8] =	sst s7  }
0x10: {  	[smem:$0x3FA9] =	sst s8  }
0x11: {  	[smem:$0x3FAA] =	sst s9;
	s0 =	simm.s32 @!p0 $0x0  }
0x12: {  	s1 =	sld [smem:$0x3F90];
	s0 =	simm.s32 @p0 $0x1  }
0x13: {  	[smem:$0x3FAB] =	sst s0;
	s0 =	simm.s32 @!p1 $0x0  }
0x14: {  	s2 =	sld [smem:$0x3F8F];
	s0 =	simm.s32 @p1 $0x1  }
0x15: {  	[smem:$0x3FAC] =	sst s0;
	s0 =	simm.s32 @!p2 $0x0  }
0x16: {  	s3 =	sld [smem:$0x3FDB];
	s0 =	simm.s32 @p2 $0x1  }
0x17: {  	s4 =	simm.s32 $0x1BF5;
	[smem:$0x3FAE] =	sst s0  }
0x18: {  	s0 =	sld [smem:$0x3F91];
	_ =	swait.ge [sflag:s4], $0x0  }
0x19: {  	s7 =	sld [smem:$0x3F92]  }
0x1a: {  	s8 =	sadd.s32 $0xFFFFE003, lr  }
0x1b: {  	s9 =	sadd.s32 $0xFFFFFEF7, lr;
	s5 =	simm.s32 $0xFFFFFFFF;
	p2 =	slt.u32 s8, $0xFFFFF086  }
0x1c: {  	p1 =	slt.u32 s9, $0xF7A;
	s5 =	simm.s32 @!p2 $0x0  }
0x1d: {  	s5 =	simm.s32 @p1 $0x1;
	p0 =	seq.s32 s7, s2  }
0x1e: {  	s7 =	smul.u32 @!p0 $0xF7A, s2;
	p2 =	seq.s32 @!p0 s5, $0x0  }
0x1f: {  	s9 =	smul.u32 $0xF7A, s1;
	s8 =	simm.s32 @!p0 $0x1BF5;
	p2 =	por !p2, p0  }
0x20: {  	[sflag:s8] =	ssyncset.s32 @!p0 $0xFFFFF086;
	s6 =	sadd.s32 @!p0 s3, s7;
	s7 =	simm.s32 @!p0 $0x108  }
0x21: {  	s3 =	sadd.s32 s3, s9;
	s6 =	sadd.s32 @!p0 $0x88, s6;
	s7 =	simm.s32 @p2 $0x1082  }
0x22: {  	[simem:s7], [sflag:s8] =	dma.local @!p0 [hbm:s6], $0xF7A  }
0x23: {  	s9 =	sor.u32 $0xD0000000, s2;
	s6 =	simm.s32 $0x108;
	_ =	swait.ge @!p0 [sflag:s8], $0x0  }
0x24: {  	s3 =	sadd.s32 $0x88, s3;
	s6 =	simm.s32 @!p1 $0x1082;
	[sflag:s4] =	ssyncset.s32 $0xFFFFF086  }
0x25: {  	[simem:s6], [sflag:s4] =	dma.local [hbm:s3], $0xF7A  }
0x26: {  	[smem:$0x3F92] =	sst s1;
	(tag) =	ssettag s2;
	_ =	strace s9  }
0x27: {  	s1 =	sld [smem:$0x3FA2]  }
0x28: {  	s2 =	sld [smem:$0x3FA3]  }
0x29: {  	s4 =	sld [smem:$0x3FA5]  }
0x2a: {  	p0 =	seq.s32 s5, $0x0;
	s5 =	sld [smem:$0x3FA6]  }
0x2b: {  	s6 =	sld [smem:$0x3FA7]  }
0x2c: {  	s7 =	sld [smem:$0x3FA8]  }
0x2d: {  	s3 =	simm.s32 $0x108;
	s8 =	sld [smem:$0x3FA9]  }
0x2e: {  	s3 =	simm.s32 @!p0 $0x1082;
	s9 =	sld [smem:$0x3FAA]  }
0x2f: {  	lr =	sadd.s32 s0, s3;
	s0 =	sld [smem:$0x3FA1]  }
0x30: {  	s3 =	sld [smem:$0x3FA4]  }
0x31: {  	[smem:$0x3FAD] =	sst s10  }
0x32: {  	s10 =	sld [smem:$0x3FAB];
	_ =	sdelay $0x3  }
0x33: {  	p0 =	seq.s32 s10, $0x1;
	s10 =	sld [smem:$0x3FAD];
	_ =	sdelay $0x3  }
0x34: {  	[smem:$0x3FAD] =	sst s10  }
0x35: {  	s10 =	sld [smem:$0x3FAC];
	_ =	sdelay $0x3  }
0x36: {  	p1 =	seq.s32 s10, $0x1;
	s10 =	sld [smem:$0x3FAD];
	_ =	sdelay $0x3  }
0x37: {  	[smem:$0x3FAD] =	sst s10  }
0x38: {  	s10 =	sld [smem:$0x3FAE]  }
0x39: {  	_ = 	snop;
	(pc) =	sbr.ind lr, $3  }
0x3a: {  	_ = 	snop  }
0x3b: {  	_ = 	snop  }
0x3c: {  	p2 =	seq.s32 s10, $0x1;
	s10 =	sld [smem:$0x3FAD]  }
0x3d: {  	_ =	shalt  }
0x3e: {  	_ =	shalt  }
0x3f: {  	_ =	shalt  }
0x40: {  	_ =	shalt  }
0x41: {  	_ =	shalt  }
0x42: {  	_ =	shalt  }
0x43: {  	_ =	shalt  }
0x44: {  	_ =	shalt  }
0x45: {  	_ =	shalt  }
0x46: {  	_ =	shalt  }
0x47: {  	_ =	shalt  }
0x48: {  	_ =	shalt  }
0x49: {  	_ =	shalt  }
0x4a: {  	_ =	shalt  }
0x4b: {  	_ =	shalt  }
0x4c: {  	_ =	shalt  }
0x4d: {  	_ =	shalt  }
0x4e: {  	_ =	shalt  }
0x4f: {  	_ =	shalt  }
0x50: {  	_ =	shalt  }
0x51: {  	_ =	shalt  }
0x52: {  	_ =	shalt  }
0x53: {  	_ =	shalt  }
0x54: {  	_ =	shalt  }
0x55: {  	_ =	shalt  }
0x56: {  	_ =	shalt  }
0x57: {  	_ =	shalt  }
0x58: {  	_ =	shalt  }
0x59: {  	_ =	shalt  }
0x5a: {  	_ =	shalt  }
0x5b: {  	_ =	shalt  }
0x5c: {  	_ =	shalt  }
0x5d: {  	_ =	shalt  }
0x5e: {  	_ =	shalt  }
0x5f: {  	_ =	shalt  }
0x60: {  	_ =	shalt  }
0x61: {  	_ =	shalt  }
0x62: {  	_ =	shalt  }
0x63: {  	_ =	shalt  }
0x64: {  	_ =	shalt  }
0x65: {  	_ =	shalt  }
0x66: {  	_ =	shalt  }
0x67: {  	_ =	shalt  }
0x68: {  	_ =	shalt  }
0x69: {  	_ =	shalt  }
0x6a: {  	_ =	shalt  }
0x6b: {  	_ =	shalt  }
0x6c: {  	_ =	shalt  }
0x6d: {  	_ =	shalt  }
0x6e: {  	_ =	shalt  }
0x6f: {  	_ =	shalt  }
0x70: {  	_ =	shalt  }
0x71: {  	_ =	shalt  }
0x72: {  	_ =	shalt  }
0x73: {  	_ =	shalt  }
0x74: {  	_ =	shalt  }
0x75: {  	_ =	shalt  }
0x76: {  	_ =	shalt  }
0x77: {  	_ =	shalt  }
0x78: {  	_ =	shalt  }
0x79: {  	_ =	shalt  }
0x7a: {  	_ =	shalt  }
0x7b: {  	_ =	shalt  }
0x7c: {  	_ =	shalt  }
0x7d: {  	_ =	shalt  }
0x7e: {  	_ =	shalt  }
0x7f: {  	_ =	shalt  }
0x80: {  	_ =	shalt  }
0x81: {  	_ =	shalt  }
0x82: {  	_ =	shalt  }
0x83: {  	_ =	shalt  }
0x84: {  	_ =	shalt  }
0x85: {  	_ =	shalt  }
0x86: {  	_ =	shalt  }
0x87: {  	_ =	shalt  }
.Lfunc_end0:
.L_simem_size_0:
called_computation.1_lowered:
.L_overlay_start_0:
0x88: {  	s2 =	sld [smem:$0x3FD9]  }
0x89: {  	s3 =	sld [smem:$0x3FFE];
	_ =	sdelay $0x1  }
0x8a: {  	s1 =	srdreg.scid  }
0x8b: {  	s0 =	sand.u32 $0x1, s1  }
0x8c: {  	s16 =	sshll.u32 s0, $0xA;
	s2 =	sadd.s32 s3, s2  }
0x8d: {  	s2 =	sadd.s32 s2, s16  }
0x8e: {  	[smem:$0x3FB9] =	sst s2  }
0x8f: {  	_ = 	snop  }
0x90: {  	(tm) =	ssettm $0x1  }
0x91: {  	s17 =	sld [smem:$0x3FFB];
	_ =	sdelay $0x3  }
0x92: {  	_ =	strace s17  }
0x93: {  	s2 =	sld [smem:$0x3FFC];
	_ =	sdelay $0x3  }
0x94: {  	_ =	strace s2  }
0x95: {  	s2 =	sld [smem:$0x3FFD];
	_ =	sdelay $0x3  }
0x96: {  	_ =	strace s2  }
0x97: {  	_ =	strace $0x8FFFFFFF  }
0x98: {  	s18 =	sld [smem:$0x3FDB];
	_ =	sdelay $0x1  }
0x99: {  	s19 =	simm.s32 $_scs_section_size  }
0x9a: {  	s4 =	simm.s32 $_size__tile_overlayer_lowered;
	s5 =	simm.s32 $_tile_overlayer_lowered  }
0x9b: {  	s22 =	simm.s32 $0x1BFF;
	s21 =	sshll.u32 s5, $0x1;
	s2 =	sadd.s32 s19, s18  }
0x9c: {  	s6 =	simm.s32 $0x0;
	s20 =	sshll.u32 s4, $0x1;
	s4 =	sadd.s32 s21, s2  }
0x9d: {  	[timem:s6], [sflag:s22] =	dma.local [hbm:s4], s20  }
0x9e: {  	_ =	swait.ge [sflag:s22], s20  }
0x9f: {  	s3 =	ssub.s32 $0x0, s20;
	[sflag:s22] =	ssyncset.done $0x0  }
0xa0: {  	[sflag:s22] =	ssyncadd.s32 s3;
	_ =	sdelay $0x1  }
0xa1: {  	s23 =	simm.s32 $0x1B8B  }
0xa2: {  	_ =	swait.ge [sflag:s23], $0x1  }
0xa3: {  	[sflag:s23] =	ssyncset.done $0x0  }
0xa4: {  	s25 =	simm.s32 $0x1B8E;
	s24 =	sld [smem:$0x3FFE];
	[sflag:s23] =	ssyncadd.s32 $0xFFFFFFFF  }
0xa5: {  	s26 =	simm.s32 $execute0_lowered;
	[smem:$0x3FD2] =	sst s25  }
0xa6: {  	s4 =	sshll.u32 s26, $0x1;
	_ =	strace $0x80000049;
	[dreg:$0x1] =	wrdreg $0xFFFFFFFF  }
0xa7: {  	s28 =	simm.s32 $_size_execute0_lowered;
	s2 =	sadd.s32 s2, s4;
	[dreg:$0x0] =	wrdreg $0x0  }
0xa8: {  	s4 =	sshll.u32 s28, $0x1;
	[dreg:$0x2] =	wrdreg s2  }
0xa9: {  	[dreg:$0x3] =	wrdreg s4  }
0xaa: {  	[dreg:$0x4] =	wrdreg $0xC0  }
0xab: {  	_ =	task [dreg:s6], $0x5FFFF  }
0xac: {  	[dreg:$0x1] =	wrdreg $0xFFFFFFFF  }
0xad: {  	[dreg:$0x0] =	wrdreg $0x60  }
0xae: {  	[dreg:$0x2] =	wrdreg s24  }
0xaf: {  	[dreg:$0x3] =	wrdreg $0x81000  }
0xb0: {  	[dreg:$0x4] =	wrdreg $0x9  }
0xb1: {  	_ =	task.clear_ibuf [dreg:s6], $0x5FFFF;
	_ =	strace $0x90000049  }
0xb2: {  	s29 =	simm.s32 $0x9;
	_ =	strace $0x8000004B  }
0xb3: {  	_ =	swait.ge [sflag:s29], $0x1  }
0xb4: {  	[sflag:s29] =	ssyncadd.s32 $0xFFFFFFFF  }
0xb5: {  	_ =	strace $0x9000004B  }
0xb6: {  	_ =	sfence  }
0xb7: {  	s30 =	sld [smem:$0x0];
	_ =	sdelay $0x2  }
0xb8: {  	s31 =	sshll.u32 s1, $0xD;
	s1 =	sshrl.u32 s1, $0x2  }
0xb9: {  	s3 =	sand.u32 $0x4000, s31;
	s1 =	sadd.s32 s1, s30  }
0xba: {  	s0 =	sor.u32 s3, s0;
	s1 =	sshll.u32 s1, $0x11  }
0xbb: {  	s0 =	sor.u32 s1, s0  }
0xbc: {  	s0 =	sadd.s32 $0x8F2B, s0  }
0xbd: {  	[sflag:s0] =	ssyncadd.remote.s32 $0x1  }
0xbe: {  	_ =	sfence.sel $0xFFFF  }
0xbf: {  	[dreg:$0x0] =	wrdreg $0xFFFFFFFF;
	(pc) =	sbr.abs _section_cstart, $3  }
0xc0: {  	[dreg:$0x1] =	wrdreg $0xFFFFFFFF  }
0xc1: {  	_ =	task.clear_ibuf [dreg:s6], $0x2FFFF;
	_ =	strace $0x9FFFFFFF  }
0xc2: {  	(tm) =	ssettm $0x7FFFFFFF  }
0xc3: {  	_ =	shalt  }
tec
execute0_lowered:
.L_overlay_start_1:
0x0: {  	(tag) =	ssettag $0x1  }
0x1: {  	s9 =	rddreg [dreg:$0x0]  }
0x2: {  	s1 =	rddreg [dreg:$0x1]  }
0x3: {  	s0 =	rddreg [dreg:$0x2]  }
0x4: {  	s3 =	simm.s32 $0x0;
	s2 =	srdreg.scid;
	s15 =	simm.s32 $0x80  }
0x5: {  	s16 =	simm.s32 $0x100;
	s17 =	simm.s32 $0x4100;
	s18 =	simm.s32 $0x1  }
0x6: {  	s23 =	simm.s32 $0x0;
	[smem:$0x7FF] =	sst s3;
	s10 =	sand.u32 $0x1, s2  }
0x7: {  	s2 =	stileid.u32;
	s4 =	sadd.s32 $0x18000, s9;
	s5 =	sadd.s32 $0x5C8400, s9  }
0x8: {  	s6 =	sadd.s32 $0x3C00, s9;
	s7 =	sadd.s32 $0xDE00, s9;
	s11 =	smul.u32 $0x13C000, s10  }
0x9: {  	s8 =	sadd.s32 $0x528000, s9;
	_ =	strace $0x8000004A;
	s12 =	smul.u32 $0x13C00, s2  }
0xa: {  	s26 =	ssub.s32 $0x2, s10;
	s13 =	smul.u32 $0x4F000, s2;
	s14 =	sshll.u32 s2, $0x1  }
0xb: {  	s31 =	sshll.u32 s2, $0x6;
	s28 =	sshrl.u32 s26, $0x1;
	s29 =	sor.u32 s10, s14  }
0xc: {  	s10 =	sor.u32 $0x1C02, s31;
	s14 =	simm.s32 $0x2;
	s11 =	sadd.s32 s12, s11  }
0xd: {  	s12 =	ssub.s32 s26, s28;
	s30 =	sshrl.u32 s13, $0x2;
	s11 =	sshrl.u32 s11, $0x3  }
0xe: {  	s13 =	sadd.s32 s30, s1;
	s12 =	smax.u32 s12, $0x1;
	s11 =	sadd.s32 s11, s9  }
0xf: {  	s9 =	smul.u32 $0x2880, s29;
	s13 =	sshrl.u32 s13, $0x3;
	s11 =	sadd.s32 $0x5EF600, s11  }
.LBB2_1:
0x10: {  	[spmem:s13], [sflag:s10] =	dma.local [hbm:s8], $0x2780  }
0x11: {  	_ =	swait.ge [sflag:s14], $0x2780  }
0x12: {  	[sflag:s14] =	ssyncset.done $0x0  }
0x13: {  	[sflag:s14] =	ssyncadd.s32 $0xFFFFD880  }
0x14: {  	s19 =	simm.s32 $0x0;
	[bflag:$0x0] =	sbarrier.arrive $0xFFFF  }
.LBB2_2:
0x15: {  	s20 =	sshll.u32 s19, $0x7  }
0x16: {  	s20 =	sadd.s32 s9, s20  }
0x17: {  	s21 =	sshrl.u32 s20, $0x3  }
0x18: {  	s22 =	sadd.s32 s6, s21  }
0x19: {  	[tilespmem:s23], [sflag:$0x2] =	stream.linear.gather [hbm4b:s22+s23], $0x80, $0x38;
	[tilespmem:$0x1BD00] =	vst v63  }
0x1a: {  	_ =	swait.ge [sflag:s14], $0x80  }
0x1b: {  	[sflag:s14] =	ssyncset.done $0x0  }
0x1c: {  	s21 =	sadd.s32 s7, s21;
	[sflag:s14] =	ssyncadd.s32 $0xFFFFFF80  }
0x1d: {  	[tilespmem:s15], [sflag:$0x2] =	stream.linear.gather [hbm4b:s21+s23], $0x80, $0x38;
	[tilespmem:$0x1BD00] =	vst v63  }
0x1e: {  	_ =	swait.ge [sflag:s14], $0x80  }
0x1f: {  	s20 =	sshll.u32 s20, $0x4;
	[sflag:s14] =	ssyncset.done $0x0  }
0x20: {  	s20 =	sadd.s32 s4, s20;
	[sflag:s14] =	ssyncadd.s32 $0xFFFFFF80  }
0x21: {  	[tilespmem:s16], [sflag:$0x2] =	stream.linear.gather [hbm4b:s20+s23], $0x4000, $0x38;
	[tilespmem:$0x1BD00] =	vst v63  }
0x22: {  	_ =	swait.ge [sflag:s14], $0x4000  }
0x23: {  	[sflag:s14] =	ssyncset.done $0x0  }
0x24: {  	[sflag:s14] =	ssyncadd.s32 $0xFFFFC000  }
0x25: {  	[tilespmem:s17], [sflag:$0x1] =	stream.indirect.gather [hbm4b:s5+s15], $0x80, s23, s15, $0xb8;
	[tilespmem:$0x1BD00] =	vst v63  }
0x26: {  	_ =	swait.ge [sflag:s18], $0x4000  }
0x27: {  	[sflag:s18] =	ssyncset.done $0x0  }
0x28: {  	s20 =	simm.s32 $0x0;
	[sflag:s18] =	ssyncadd.s32 $0xFFFFC000  }
0x29: {  	v7 =	vld [tilespmem:s20+$0x4100]  }
0x2a: {  	v11 =	vld [tilespmem:s20+$0x4110]  }
0x2b: {  	v5 =	vld [tilespmem:s20+$0x4120]  }
0x2c: {  	v4 =	vld [tilespmem:s20+$0x4130]  }
0x2d: {  	v3 =	vld [tilespmem:s20+$0x4140]  }
0x2e: {  	v2 =	vld [tilespmem:s20+$0x4150]  }
0x2f: {  	v1 =	vld [tilespmem:s20+$0x4160]  }
0x30: {  	v0 =	vld [tilespmem:s20+$0x4170]  }
0x31: {  	v12 =	vld [tilespmem:s20+$0x100]  }
0x32: {  	v13 =	vld [tilespmem:s20+$0x110]  }
0x33: {  	v10 =	vld [tilespmem:s20+$0x120]  }
0x34: {  	v9 =	vld [tilespmem:s20+$0x130]  }
0x35: {  	v8 =	vld [tilespmem:s20+$0x140]  }
0x36: {  	v6 =	vld [tilespmem:s20+$0x150];
	v12 =	vmul.f32 v7, v12  }
0x37: {  	s21 =	simm.s32 $0x200;
	v11 =	vmul.f32 v11, v13;
	v7 =	vld [tilespmem:s20+$0x160]  }
.LBB2_3:
0x38: {  	s22 =	sshra.s32 s21, $0x2;
	p0 =	sne.s32 s21, $0xFE00;
	[tilespmem:s20+$0x100] =	vst v12;
	v5 =	vmul.f32 v5, v10;
	v10 =	vld [tilespmem:s20+$0x170]  }
0x39: {  	v12 =	vld [tilespmem:s22+$0x4100];
	[tilespmem:s20+$0x110] =	vst v11;
	v4 =	vmul.f32 v4, v9  }
0x3a: {  	v11 =	vld [tilespmem:s22+$0x4110];
	[tilespmem:s20+$0x120] =	vst v5;
	v3 =	vmul.f32 v3, v8  }
0x3b: {  	v5 =	vld [tilespmem:s22+$0x4120];
	[tilespmem:s20+$0x130] =	vst v4;
	v2 =	vmul.f32 v2, v6  }
0x3c: {  	v4 =	vld [tilespmem:s22+$0x4130];
	[tilespmem:s20+$0x140] =	vst v3;
	v1 =	vmul.f32 v1, v7  }
0x3d: {  	v3 =	vld [tilespmem:s22+$0x4140];
	[tilespmem:s20+$0x150] =	vst v2;
	v0 =	vmul.f32 v0, v10  }
0x3e: {  	v2 =	vld [tilespmem:s22+$0x4150];
	[tilespmem:s20+$0x160] =	vst v1  }
0x3f: {  	v1 =	vld [tilespmem:s22+$0x4160];
	[tilespmem:s20+$0x170] =	vst v0;
	s20 =	smov.u32 s22  }
0x40: {  	v0 =	vld [tilespmem:s20+$0x4170]  }
0x41: {  	v6 =	vld [tilespmem:s20+$0x100]  }
0x42: {  	v7 =	vld [tilespmem:s20+$0x110]  }
.Ltmp0:
0x43: {  	v10 =	vld [tilespmem:s20+$0x120];
	(pc) =	sbr.rel @p0 .LBB2_3-.Ltmp0, $4  }
0x44: {  	v9 =	vld [tilespmem:s20+$0x130]  }
0x45: {  	v8 =	vld [tilespmem:s20+$0x140]  }
0x46: {  	v12 =	vmul.f32 v12, v6;
	v6 =	vld [tilespmem:s20+$0x150]  }
0x47: {  	s21 =	sadd.s32 $0x200, s21;
	v11 =	vmul.f32 v11, v7;
	v7 =	vld [tilespmem:s20+$0x160]  }
0x48: {  	[tilespmem:s20+$0x100] =	vst v12;
	v5 =	vmul.f32 v5, v10;
	v63 =	vld [tilespmem:s20+$0x170]  }
0x49: {  	[tilespmem:s20+$0x110] =	vst v11;
	v4 =	vmul.f32 v4, v9  }
0x4a: {  	[tilespmem:s20+$0x120] =	vst v5;
	v3 =	vmul.f32 v3, v8  }
0x4b: {  	[tilespmem:s20+$0x130] =	vst v4;
	v2 =	vmul.f32 v2, v6  }
0x4c: {  	[tilespmem:s20+$0x140] =	vst v3;
	v1 =	vmul.f32 v1, v7  }
0x4d: {  	s19 =	sadd.s32 $0x1, s19;
	[tilespmem:s20+$0x150] =	vst v2;
	v0 =	vmul.f32 v0, v63  }
0x4e: {  	p0 =	sne.s32 s19, $0x51;
	[tilespmem:s20+$0x160] =	vst v1  }
.Ltmp1:
0x4f: {  	[tilespmem:s20+$0x170] =	vst v0;
	(pc) =	sbr.rel @p0 .LBB2_2-.Ltmp1, $4  }
0x50: {  	[spmem:s1] =	stream.indirect.scatter.add.f32 [tilespmem:s16], [sflag:$0x2], $0x80, s15, s15, $0xb8;
	[tilespmem:$0x1BD00] =	vst v63  }
0x51: {  	_ =	swait.ge [sflag:s14], $0x4000  }
0x52: {  	[sflag:s14] =	ssyncset.done $0x0  }
0x53: {  	[sflag:s14] =	ssyncadd.s32 $0xFFFFC000  }
0x54: {  	s3 =	sadd.s32 $0x1, s3  }
0x55: {  	p0 =	sne.s32 s3, s12  }
.Ltmp2:
0x56: {  	[bflag:$0x0] =	sbarrier.arrive $0xFFFF;
	(pc) =	sbr.rel @p0 .LBB2_1-.Ltmp2, $4  }
0x57: {  	[hbm:s11], [sflag:s10] =	dma.local [spmem:s13], $0x2780  }
0x58: {  	_ =	swait.ge [sflag:s14], $0x2780  }
0x59: {  	[sflag:s14] =	ssyncset.done $0x0  }
0x5a: {  	[sflag:s14] =	ssyncadd.s32 $0xFFFFD880  }
0x5b: {  	_ =	sfence.sel $0x180000  }
0x5c: {  	[bflag:$0x0] =	sbarrier.arrive $0xFFFF  }
0x5d: {  	p0 =	sne.s32 s2, $0x0;
	_ =	strace $0x9000004A  }
0x5e: {  	s0 =	sadd.s32 @!p0 $0x100000, s0;
	[bflag:$0x2] =	sbarrier.arrive $0xFFFF  }
0x5f: {  	[sflag:s0] =	ssyncadd.tile.s32 @!p0 $0x1;
	_ =	shalt  }
.Lfunc_end2:
_tile_overlayer_lowered:
.L_overlay_start_2:
0x60: {  	(tag) =	ssettag $0x2  }
0x61: {  	s0 =	rddreg [dreg:$0x0];
	s2 =	stileid.u32  }
0x62: {  	s1 =	rddreg [dreg:$0x1];
	p0 =	sne.s32 s2, $0x0  }
0x63: {  	s3 =	rddreg [dreg:$0x2];
	[bflag:$0x3] =	sbarrier.arrive $0xFFFF;
	s2 =	simm.s32 @!p0 $0x1C02  }
0x64: {  	[timem:s3], [sflag:s2] =	dma.local @!p0 [hbm:s0], s1  }
0x65: {  	s0 =	simm.s32 @!p0 $0x2  }
0x66: {  	_ =	swait.ge @!p0 [sflag:s0], s1  }
0x67: {  	s1 =	ssub.s32 @!p0 $0x0, s1;
	[sflag:s0] =	ssyncset.done @!p0 $0x0  }
0x68: {  	[sflag:s0] =	ssyncadd.s32 @!p0 s1  }
0x69: {  	[bflag:$0x3] =	sbarrier.arrive $0xFFFF  }
0x6a: {  	_ =	shalt  }

// kernel: kernel.9.cloned.1.call-start
scs
__scs_entry_jumppad:
0x0: {  	(pc) =	sbr.rel $0x88, $3  }
0x1: {  	(tag) =	ssettag $0x0;
	lr =	simm.s32 $0x1  }
0x2: {  	[smem:$0x3F92] =	sst lr;
	_ =	strace $0xD0000000  }
0x3: {  	_ = 	snop  }
0x4: {  	_ = 	snop  }
0x5: {  	_ = 	snop  }
0x6: {  	_ = 	snop  }
0x7: {  	_ = 	snop  }
__scs_overlays_trampoline_lowered:
0x8: {  	[smem:$0x3FA1] =	sst s0  }
0x9: {  	[smem:$0x3FA2] =	sst s1  }
0xa: {  	[smem:$0x3FA3] =	sst s2  }
0xb: {  	[smem:$0x3FA4] =	sst s3  }
0xc: {  	[smem:$0x3FA5] =	sst s4  }
0xd: {  	[smem:$0x3FA6] =	sst s5  }
0xe: {  	[smem:$0x3FA7] =	sst s6  }
0xf: {  	[smem:$0x3FA8] =	sst s7  }
0x10: {  	[smem:$0x3FA9] =	sst s8  }
0x11: {  	[smem:$0x3FAA] =	sst s9;
	s0 =	simm.s32 @!p0 $0x0  }
0x12: {  	s1 =	sld [smem:$0x3F90];
	s0 =	simm.s32 @p0 $0x1  }
0x13: {  	[smem:$0x3FAB] =	sst s0;
	s0 =	simm.s32 @!p1 $0x0  }
0x14: {  	s2 =	sld [smem:$0x3F8F];
	s0 =	simm.s32 @p1 $0x1  }
0x15: {  	[smem:$0x3FAC] =	sst s0;
	s0 =	simm.s32 @!p2 $0x0  }
0x16: {  	s3 =	sld [smem:$0x3FDB];
	s0 =	simm.s32 @p2 $0x1  }
0x17: {  	s4 =	simm.s32 $0x1BF5;
	[smem:$0x3FAE] =	sst s0  }
0x18: {  	s0 =	sld [smem:$0x3F91];
	_ =	swait.ge [sflag:s4], $0x0  }
0x19: {  	s7 =	sld [smem:$0x3F92]  }
0x1a: {  	s8 =	sadd.s32 $0xFFFFE003, lr  }
0x1b: {  	s9 =	sadd.s32 $0xFFFFFEF7, lr;
	s5 =	simm.s32 $0xFFFFFFFF;
	p2 =	slt.u32 s8, $0xFFFFF086  }
0x1c: {  	p1 =	slt.u32 s9, $0xF7A;
	s5 =	simm.s32 @!p2 $0x0  }
0x1d: {  	s5 =	simm.s32 @p1 $0x1;
	p0 =	seq.s32 s7, s2  }
0x1e: {  	s7 =	smul.u32 @!p0 $0xF7A, s2;
	p2 =	seq.s32 @!p0 s5, $0x0  }
0x1f: {  	s9 =	smul.u32 $0xF7A, s1;
	s8 =	simm.s32 @!p0 $0x1BF5;
	p2 =	por !p2, p0  }
0x20: {  	[sflag:s8] =	ssyncset.s32 @!p0 $0xFFFFF086;
	s6 =	sadd.s32 @!p0 s3, s7;
	s7 =	simm.s32 @!p0 $0x108  }
0x21: {  	s3 =	sadd.s32 s3, s9;
	s6 =	sadd.s32 @!p0 $0x88, s6;
	s7 =	simm.s32 @p2 $0x1082  }
0x22: {  	[simem:s7], [sflag:s8] =	dma.local @!p0 [hbm:s6], $0xF7A  }
0x23: {  	s9 =	sor.u32 $0xD0000000, s2;
	s6 =	simm.s32 $0x108;
	_ =	swait.ge @!p0 [sflag:s8], $0x0  }
0x24: {  	s3 =	sadd.s32 $0x88, s3;
	s6 =	simm.s32 @!p1 $0x1082;
	[sflag:s4] =	ssyncset.s32 $0xFFFFF086  }
0x25: {  	[simem:s6], [sflag:s4] =	dma.local [hbm:s3], $0xF7A  }
0x26: {  	[smem:$0x3F92] =	sst s1;
	(tag) =	ssettag s2;
	_ =	strace s9  }
0x27: {  	s1 =	sld [smem:$0x3FA2]  }
0x28: {  	s2 =	sld [smem:$0x3FA3]  }
0x29: {  	s4 =	sld [smem:$0x3FA5]  }
0x2a: {  	p0 =	seq.s32 s5, $0x0;
	s5 =	sld [smem:$0x3FA6]  }
0x2b: {  	s6 =	sld [smem:$0x3FA7]  }
0x2c: {  	s7 =	sld [smem:$0x3FA8]  }
0x2d: {  	s3 =	simm.s32 $0x108;
	s8 =	sld [smem:$0x3FA9]  }
0x2e: {  	s3 =	simm.s32 @!p0 $0x1082;
	s9 =	sld [smem:$0x3FAA]  }
0x2f: {  	lr =	sadd.s32 s0, s3;
	s0 =	sld [smem:$0x3FA1]  }
0x30: {  	s3 =	sld [smem:$0x3FA4]  }
0x31: {  	[smem:$0x3FAD] =	sst s10  }
0x32: {  	s10 =	sld [smem:$0x3FAB];
	_ =	sdelay $0x3  }
0x33: {  	p0 =	seq.s32 s10, $0x1;
	s10 =	sld [smem:$0x3FAD];
	_ =	sdelay $0x3  }
0x34: {  	[smem:$0x3FAD] =	sst s10  }
0x35: {  	s10 =	sld [smem:$0x3FAC];
	_ =	sdelay $0x3  }
0x36: {  	p1 =	seq.s32 s10, $0x1;
	s10 =	sld [smem:$0x3FAD];
	_ =	sdelay $0x3  }
0x37: {  	[smem:$0x3FAD] =	sst s10  }
0x38: {  	s10 =	sld [smem:$0x3FAE]  }
0x39: {  	_ = 	snop;
	(pc) =	sbr.ind lr, $3  }
0x3a: {  	_ = 	snop  }
0x3b: {  	_ = 	snop  }
0x3c: {  	p2 =	seq.s32 s10, $0x1;
	s10 =	sld [smem:$0x3FAD]  }
0x3d: {  	_ =	shalt  }
0x3e: {  	_ =	shalt  }
0x3f: {  	_ =	shalt  }
0x40: {  	_ =	shalt  }
0x41: {  	_ =	shalt  }
0x42: {  	_ =	shalt  }
0x43: {  	_ =	shalt  }
0x44: {  	_ =	shalt  }
0x45: {  	_ =	shalt  }
0x46: {  	_ =	shalt  }
0x47: {  	_ =	shalt  }
0x48: {  	_ =	shalt  }
0x49: {  	_ =	shalt  }
0x4a: {  	_ =	shalt  }
0x4b: {  	_ =	shalt  }
0x4c: {  	_ =	shalt  }
0x4d: {  	_ =	shalt  }
0x4e: {  	_ =	shalt  }
0x4f: {  	_ =	shalt  }
0x50: {  	_ =	shalt  }
0x51: {  	_ =	shalt  }
0x52: {  	_ =	shalt  }
0x53: {  	_ =	shalt  }
0x54: {  	_ =	shalt  }
0x55: {  	_ =	shalt  }
0x56: {  	_ =	shalt  }
0x57: {  	_ =	shalt  }
0x58: {  	_ =	shalt  }
0x59: {  	_ =	shalt  }
0x5a: {  	_ =	shalt  }
0x5b: {  	_ =	shalt  }
0x5c: {  	_ =	shalt  }
0x5d: {  	_ =	shalt  }
0x5e: {  	_ =	shalt  }
0x5f: {  	_ =	shalt  }
0x60: {  	_ =	shalt  }
0x61: {  	_ =	shalt  }
0x62: {  	_ =	shalt  }
0x63: {  	_ =	shalt  }
0x64: {  	_ =	shalt  }
0x65: {  	_ =	shalt  }
0x66: {  	_ =	shalt  }
0x67: {  	_ =	shalt  }
0x68: {  	_ =	shalt  }
0x69: {  	_ =	shalt  }
0x6a: {  	_ =	shalt  }
0x6b: {  	_ =	shalt  }
0x6c: {  	_ =	shalt  }
0x6d: {  	_ =	shalt  }
0x6e: {  	_ =	shalt  }
0x6f: {  	_ =	shalt  }
0x70: {  	_ =	shalt  }
0x71: {  	_ =	shalt  }
0x72: {  	_ =	shalt  }
0x73: {  	_ =	shalt  }
0x74: {  	_ =	shalt  }
0x75: {  	_ =	shalt  }
0x76: {  	_ =	shalt  }
0x77: {  	_ =	shalt  }
0x78: {  	_ =	shalt  }
0x79: {  	_ =	shalt  }
0x7a: {  	_ =	shalt  }
0x7b: {  	_ =	shalt  }
0x7c: {  	_ =	shalt  }
0x7d: {  	_ =	shalt  }
0x7e: {  	_ =	shalt  }
0x7f: {  	_ =	shalt  }
0x80: {  	_ =	shalt  }
0x81: {  	_ =	shalt  }
0x82: {  	_ =	shalt  }
0x83: {  	_ =	shalt  }
0x84: {  	_ =	shalt  }
0x85: {  	_ =	shalt  }
0x86: {  	_ =	shalt  }
0x87: {  	_ =	shalt  }
.Lfunc_end0:
.L_simem_size_0:
called_computation_lowered:
.L_overlay_start_0:
0x88: {  	s2 =	sld [smem:$0x3FD9]  }
0x89: {  	s3 =	sld [smem:$0x3FFE];
	_ =	sdelay $0x1  }
0x8a: {  	s1 =	srdreg.scid  }
0x8b: {  	s0 =	sand.u32 $0x1, s1  }
0x8c: {  	s16 =	sshll.u32 s0, $0xA;
	s2 =	sadd.s32 s3, s2  }
0x8d: {  	s2 =	sadd.s32 s2, s16  }
0x8e: {  	[smem:$0x3FB9] =	sst s2  }
0x8f: {  	_ = 	snop  }
0x90: {  	(tm) =	ssettm $0x1  }
0x91: {  	s17 =	sld [smem:$0x3FFB];
	_ =	sdelay $0x3  }
0x92: {  	_ =	strace s17  }
0x93: {  	s2 =	sld [smem:$0x3FFC];
	_ =	sdelay $0x3  }
0x94: {  	_ =	strace s2  }
0x95: {  	s2 =	sld [smem:$0x3FFD];
	_ =	sdelay $0x3  }
0x96: {  	_ =	strace s2  }
0x97: {  	_ =	strace $0x8FFFFFFF  }
0x98: {  	s18 =	sld [smem:$0x3FDB];
	_ =	sdelay $0x1  }
0x99: {  	s19 =	simm.s32 $_scs_section_size  }
0x9a: {  	s4 =	simm.s32 $_size__tile_overlayer_lowered;
	s5 =	simm.s32 $_tile_overlayer_lowered  }
0x9b: {  	s22 =	simm.s32 $0x1BFF;
	s21 =	sshll.u32 s5, $0x1;
	s2 =	sadd.s32 s19, s18  }
0x9c: {  	s6 =	simm.s32 $0x0;
	s20 =	sshll.u32 s4, $0x1;
	s4 =	sadd.s32 s21, s2  }
0x9d: {  	[timem:s6], [sflag:s22] =	dma.local [hbm:s4], s20  }
0x9e: {  	_ =	swait.ge [sflag:s22], s20  }
0x9f: {  	s3 =	ssub.s32 $0x0, s20;
	[sflag:s22] =	ssyncset.done $0x0  }
0xa0: {  	[sflag:s22] =	ssyncadd.s32 s3;
	_ =	sdelay $0x1  }
0xa1: {  	s23 =	simm.s32 $0x1B8B  }
0xa2: {  	_ =	swait.ge [sflag:s23], $0x1  }
0xa3: {  	[sflag:s23] =	ssyncset.done $0x0  }
0xa4: {  	s25 =	simm.s32 $0x1B8E;
	s24 =	sld [smem:$0x3FFE];
	[sflag:s23] =	ssyncadd.s32 $0xFFFFFFFF  }
0xa5: {  	s26 =	simm.s32 $execute0_lowered;
	[smem:$0x3FD2] =	sst s25  }
0xa6: {  	s4 =	sshll.u32 s26, $0x1;
	_ =	strace $0x80000046;
	[dreg:$0x1] =	wrdreg $0xFFFFFFFF  }
0xa7: {  	s28 =	simm.s32 $_size_execute0_lowered;
	s2 =	sadd.s32 s2, s4;
	[dreg:$0x0] =	wrdreg $0x0  }
0xa8: {  	s4 =	sshll.u32 s28, $0x1;
	[dreg:$0x2] =	wrdreg s2  }
0xa9: {  	[dreg:$0x3] =	wrdreg s4  }
0xaa: {  	[dreg:$0x4] =	wrdreg $0xC0  }
0xab: {  	_ =	task [dreg:s6], $0x5FFFF  }
0xac: {  	[dreg:$0x1] =	wrdreg $0xFFFFFFFF  }
0xad: {  	[dreg:$0x0] =	wrdreg $0x60  }
0xae: {  	[dreg:$0x2] =	wrdreg s24  }
0xaf: {  	[dreg:$0x3] =	wrdreg $0xC1000  }
0xb0: {  	[dreg:$0x4] =	wrdreg $0x9  }
0xb1: {  	_ =	task.clear_ibuf [dreg:s6], $0x5FFFF;
	_ =	strace $0x90000046  }
0xb2: {  	s29 =	simm.s32 $0x9;
	_ =	strace $0x80000048  }
0xb3: {  	_ =	swait.ge [sflag:s29], $0x1  }
0xb4: {  	[sflag:s29] =	ssyncadd.s32 $0xFFFFFFFF  }
0xb5: {  	_ =	strace $0x90000048  }
0xb6: {  	_ =	sfence  }
0xb7: {  	s30 =	sld [smem:$0x0];
	_ =	sdelay $0x2  }
0xb8: {  	s31 =	sshll.u32 s1, $0xD;
	s1 =	sshrl.u32 s1, $0x2  }
0xb9: {  	s3 =	sand.u32 $0x4000, s31;
	s1 =	sadd.s32 s1, s30  }
0xba: {  	s0 =	sor.u32 s3, s0;
	s1 =	sshll.u32 s1, $0x11  }
0xbb: {  	s0 =	sor.u32 s1, s0  }
0xbc: {  	s0 =	sadd.s32 $0x8F2B, s0  }
0xbd: {  	[sflag:s0] =	ssyncadd.remote.s32 $0x1  }
0xbe: {  	_ =	sfence.sel $0xFFFF  }
0xbf: {  	[dreg:$0x0] =	wrdreg $0xFFFFFFFF;
	(pc) =	sbr.abs _section_cstart, $3  }
0xc0: {  	[dreg:$0x1] =	wrdreg $0xFFFFFFFF  }
0xc1: {  	_ =	task.clear_ibuf [dreg:s6], $0x2FFFF;
	_ =	strace $0x9FFFFFFF  }
0xc2: {  	(tm) =	ssettm $0x7FFFFFFF  }
0xc3: {  	_ =	shalt  }
tec
execute0_lowered:
.L_overlay_start_1:
0x0: {  	(tag) =	ssettag $0x1  }
0x1: {  	s11 =	rddreg [dreg:$0x0]  }
0x2: {  	s1 =	rddreg [dreg:$0x1]  }
0x3: {  	s0 =	rddreg [dreg:$0x2];
	s2 =	simm.s32 $0x0  }
0x4: {  	s3 =	srdreg.scid;
	s17 =	simm.s32 $0x8100;
	s18 =	simm.s32 $0x80  }
0x5: {  	s19 =	simm.s32 $0x100;
	s20 =	simm.s32 $0x4100;
	s21 =	simm.s32 $0x1  }
0x6: {  	s22 =	simm.s32 $0x2;
	s23 =	simm.s32 $0x0;
	[smem:$0x7FF] =	sst s2  }
0x7: {  	s12 =	sand.u32 $0x1, s3;
	s3 =	stileid.u32;
	s4 =	sadd.s32 $0x18000, s11  }
0x8: {  	s5 =	sadd.s32 $0x3F200, s11;
	s6 =	sadd.s32 $0x3C00, s11;
	s7 =	sadd.s32 $0xDE00, s11  }
0x9: {  	s8 =	sadd.s32 $0x66400, s11;
	s9 =	sadd.s32 $0x68C00, s11;
	s13 =	smul.u32 $0x13C000, s12  }
0xa: {  	s10 =	sadd.s32 $0x69400, s11;
	_ =	strace $0x80000047;
	s14 =	smul.u32 $0x13C00, s3  }
0xb: {  	s26 =	ssub.s32 $0x2, s12;
	s15 =	smul.u32 $0x4F000, s3;
	s16 =	sshll.u32 s3, $0x1  }
0xc: {  	s31 =	sshll.u32 s3, $0x6;
	s28 =	sshrl.u32 s26, $0x1;
	s29 =	sor.u32 s12, s16  }
0xd: {  	s12 =	sor.u32 $0x1C03, s31;
	s16 =	simm.s32 $0x3;
	s13 =	sadd.s32 s14, s13  }
0xe: {  	s14 =	ssub.s32 s26, s28;
	s30 =	sshrl.u32 s15, $0x2;
	s13 =	sshrl.u32 s13, $0x3  }
0xf: {  	s15 =	sadd.s32 s30, s1;
	s14 =	smax.u32 s14, $0x1;
	s13 =	sadd.s32 s13, s11  }
0x10: {  	s11 =	smul.u32 $0x2880, s29;
	s15 =	sshrl.u32 s15, $0x3;
	s13 =	sadd.s32 $0x579400, s13  }
.LBB2_1:
0x11: {  	[spmem:s15], [sflag:s12] =	dma.local [hbm:s8], $0x2780  }
0x12: {  	_ =	swait.ge [sflag:s16], $0x2780  }
0x13: {  	[sflag:s16] =	ssyncset.done $0x0  }
0x14: {  	[sflag:s16] =	ssyncadd.s32 $0xFFFFD880  }
0x15: {  	[tilespmem:s17], [sflag:$0x3] =	stream.linear.gather [hbm4b:s9+s2], $0x4000, $0x38;
	[tilespmem:$0xE880] =	vst v63  }
0x16: {  	_ =	swait.ge [sflag:s16], $0x4000  }
0x17: {  	[sflag:s16] =	ssyncset.done $0x0  }
0x18: {  	[sflag:s16] =	ssyncadd.s32 $0xFFFFC000  }
0x19: {  	s24 =	simm.s32 $0x0;
	[bflag:$0x0] =	sbarrier.arrive $0xFFFF  }
.LBB2_2:
0x1a: {  	s25 =	sshll.u32 s24, $0x7  }
0x1b: {  	s25 =	sadd.s32 s11, s25  }
0x1c: {  	s26 =	sshrl.u32 s25, $0x3  }
0x1d: {  	s29 =	simm.s32 $0x0;
	s28 =	sadd.s32 s6, s26  }
0x1e: {  	[tilespmem:s29], [sflag:$0x3] =	stream.linear.gather [hbm4b:s28+s29], $0x80, $0x38;
	[tilespmem:$0xE880] =	vst v63  }
0x1f: {  	_ =	swait.ge [sflag:s16], $0x80  }
0x20: {  	[sflag:s16] =	ssyncset.done $0x0  }
0x21: {  	s26 =	sadd.s32 s7, s26;
	[sflag:s16] =	ssyncadd.s32 $0xFFFFFF80  }
0x22: {  	[tilespmem:s18], [sflag:$0x3] =	stream.linear.gather [hbm4b:s26+s29], $0x80, $0x38;
	[tilespmem:$0xE880] =	vst v63  }
0x23: {  	_ =	swait.ge [sflag:s16], $0x80  }
0x24: {  	[sflag:s16] =	ssyncset.done $0x0  }
0x25: {  	[sflag:s16] =	ssyncadd.s32 $0xFFFFFF80  }
0x26: {  	[tilespmem:s19], [sflag:$0x1] =	stream.indirect.gather [hbm4b:s4+s18], $0x80, s29, s18, $0xb8;
	[tilespmem:$0xE880] =	vst v63  }
0x27: {  	_ = 	snop  }
0x28: {  	[tilespmem:s20], [sflag:$0x2] =	stream.indirect.gather [hbm4b:s5+s18], $0x80, s18, s18, $0xb8;
	[tilespmem:$0xE880] =	vst v63  }
0x29: {  	_ =	swait.ge [sflag:s21], $0x4000  }
0x2a: {  	[sflag:s21] =	ssyncset.done $0x0  }
0x2b: {  	[sflag:s21] =	ssyncadd.s32 $0xFFFFC000  }
0x2c: {  	_ =	swait.ge [sflag:s22], $0x4000  }
0x2d: {  	[sflag:s22] =	ssyncset.done $0x0  }
0x2e: {  	s26 =	simm.s32 $0x0;
	[sflag:s22] =	ssyncadd.s32 $0xFFFFC000  }
0x2f: {  	v7 =	vld [tilespmem:s26+$0x4100]  }
0x30: {  	v11 =	vld [tilespmem:s26+$0x4110]  }
0x31: {  	v5 =	vld [tilespmem:s26+$0x4120]  }
0x32: {  	v4 =	vld [tilespmem:s26+$0x4130]  }
0x33: {  	v3 =	vld [tilespmem:s26+$0x4140]  }
0x34: {  	v2 =	vld [tilespmem:s26+$0x4150]  }
0x35: {  	v1 =	vld [tilespmem:s26+$0x4160]  }
0x36: {  	v0 =	vld [tilespmem:s26+$0x4170]  }
0x37: {  	v12 =	vld [tilespmem:s26+$0x100]  }
0x38: {  	v13 =	vld [tilespmem:s26+$0x110]  }
0x39: {  	v10 =	vld [tilespmem:s26+$0x120]  }
0x3a: {  	v9 =	vld [tilespmem:s26+$0x130]  }
0x3b: {  	v8 =	vld [tilespmem:s26+$0x140]  }
0x3c: {  	v6 =	vld [tilespmem:s26+$0x150];
	v12 =	vadd.f32 v7, v12  }
0x3d: {  	s28 =	simm.s32 $0x200;
	v11 =	vadd.f32 v11, v13;
	v7 =	vld [tilespmem:s26+$0x160]  }
.LBB2_3:
0x3e: {  	s29 =	sshra.s32 s28, $0x2;
	p0 =	sne.s32 s28, $0xFE00;
	[tilespmem:s26+$0x100] =	vst v12;
	v5 =	vadd.f32 v5, v10;
	v10 =	vld [tilespmem:s26+$0x170]  }
0x3f: {  	v12 =	vld [tilespmem:s29+$0x4100];
	[tilespmem:s26+$0x110] =	vst v11;
	v4 =	vadd.f32 v4, v9  }
0x40: {  	v11 =	vld [tilespmem:s29+$0x4110];
	[tilespmem:s26+$0x120] =	vst v5;
	v3 =	vadd.f32 v3, v8  }
0x41: {  	v5 =	vld [tilespmem:s29+$0x4120];
	[tilespmem:s26+$0x130] =	vst v4;
	v2 =	vadd.f32 v2, v6  }
0x42: {  	v4 =	vld [tilespmem:s29+$0x4130];
	[tilespmem:s26+$0x140] =	vst v3;
	v1 =	vadd.f32 v1, v7  }
0x43: {  	v3 =	vld [tilespmem:s29+$0x4140];
	[tilespmem:s26+$0x150] =	vst v2;
	v0 =	vadd.f32 v0, v10  }
0x44: {  	v2 =	vld [tilespmem:s29+$0x4150];
	[tilespmem:s26+$0x160] =	vst v1  }
0x45: {  	v1 =	vld [tilespmem:s29+$0x4160];
	[tilespmem:s26+$0x170] =	vst v0;
	s26 =	smov.u32 s29  }
0x46: {  	v0 =	vld [tilespmem:s26+$0x4170]  }
0x47: {  	v6 =	vld [tilespmem:s26+$0x100]  }
0x48: {  	v7 =	vld [tilespmem:s26+$0x110]  }
.Ltmp0:
0x49: {  	v10 =	vld [tilespmem:s26+$0x120];
	(pc) =	sbr.rel @p0 .LBB2_3-.Ltmp0, $4  }
0x4a: {  	v9 =	vld [tilespmem:s26+$0x130]  }
0x4b: {  	v8 =	vld [tilespmem:s26+$0x140]  }
0x4c: {  	v12 =	vadd.f32 v12, v6;
	v6 =	vld [tilespmem:s26+$0x150]  }
0x4d: {  	s28 =	sadd.s32 $0x200, s28;
	v11 =	vadd.f32 v11, v7;
	v7 =	vld [tilespmem:s26+$0x160]  }
0x4e: {  	[tilespmem:s26+$0x100] =	vst v12;
	v5 =	vadd.f32 v5, v10;
	v63 =	vld [tilespmem:s26+$0x170]  }
0x4f: {  	[tilespmem:s26+$0x110] =	vst v11;
	v4 =	vadd.f32 v4, v9  }
0x50: {  	[tilespmem:s26+$0x120] =	vst v5;
	v3 =	vadd.f32 v3, v8  }
0x51: {  	[tilespmem:s26+$0x130] =	vst v4;
	v2 =	vadd.f32 v2, v6  }
0x52: {  	[tilespmem:s26+$0x140] =	vst v3;
	v1 =	vadd.f32 v1, v7  }
0x53: {  	[tilespmem:s26+$0x150] =	vst v2;
	v0 =	vadd.f32 v0, v63  }
0x54: {  	s25 =	sshll.u32 s25, $0x4;
	[tilespmem:s26+$0x160] =	vst v1  }
0x55: {  	s25 =	sadd.s32 s10, s25;
	[tilespmem:s26+$0x170] =	vst v0  }
0x56: {  	[hbm4b:s25+s2] =	stream.linear.scatter [tilespmem:s19], [sflag:$0x3], $0x4000, $0x38;
	[tilespmem:$0xE880] =	vst v63  }
0x57: {  	s24 =	sadd.s32 $0x1, s24;
	_ =	swait.ge [sflag:s16], $0x4000  }
0x58: {  	p0 =	sne.s32 s24, $0x51;
	[sflag:s16] =	ssyncset.done $0x0  }
.Ltmp1:
0x59: {  	[sflag:s16] =	ssyncadd.s32 $0xFFFFC000;
	(pc) =	sbr.rel @p0 .LBB2_2-.Ltmp1, $4  }
0x5a: {  	[spmem:s1] =	stream.indirect.scatter.add.f32 [tilespmem:s17], [sflag:$0x3], $0x10, s2, s18, $0xb8;
	[tilespmem:$0xE880] =	vst v63  }
0x5b: {  	_ =	swait.ge [sflag:s16], $0x800  }
0x5c: {  	[sflag:s16] =	ssyncset.done $0x0  }
0x5d: {  	[sflag:s16] =	ssyncadd.s32 $0xFFFFF800  }
0x5e: {  	s23 =	sadd.s32 $0x1, s23  }
0x5f: {  	p0 =	sne.s32 s23, s14  }
.Ltmp2:
0x60: {  	[bflag:$0x0] =	sbarrier.arrive $0xFFFF;
	(pc) =	sbr.rel @p0 .LBB2_1-.Ltmp2, $4  }
0x61: {  	[hbm:s13], [sflag:s12] =	dma.local [spmem:s15], $0x2780  }
0x62: {  	_ =	swait.ge [sflag:s16], $0x2780  }
0x63: {  	[sflag:s16] =	ssyncset.done $0x0  }
0x64: {  	[sflag:s16] =	ssyncadd.s32 $0xFFFFD880  }
0x65: {  	_ =	sfence.sel $0x180000  }
0x66: {  	[bflag:$0x0] =	sbarrier.arrive $0xFFFF  }
0x67: {  	p0 =	sne.s32 s3, $0x0;
	_ =	strace $0x90000047  }
0x68: {  	s0 =	sadd.s32 @!p0 $0x100000, s0;
	[bflag:$0x2] =	sbarrier.arrive $0xFFFF  }
0x69: {  	[sflag:s0] =	ssyncadd.tile.s32 @!p0 $0x1;
	_ =	shalt  }
.Lfunc_end2:
_tile_overlayer_lowered:
.L_overlay_start_2:
0x6a: {  	(tag) =	ssettag $0x2  }
0x6b: {  	s0 =	rddreg [dreg:$0x0];
	s2 =	stileid.u32  }
0x6c: {  	s1 =	rddreg [dreg:$0x1];
	p0 =	sne.s32 s2, $0x0  }
0x6d: {  	s3 =	rddreg [dreg:$0x2];
	[bflag:$0x3] =	sbarrier.arrive $0xFFFF;
	s2 =	simm.s32 @!p0 $0x1C03  }
0x6e: {  	[timem:s3], [sflag:s2] =	dma.local @!p0 [hbm:s0], s1  }
0x6f: {  	s0 =	simm.s32 @!p0 $0x3  }
0x70: {  	_ =	swait.ge @!p0 [sflag:s0], s1  }
0x71: {  	s1 =	ssub.s32 @!p0 $0x0, s1;
	[sflag:s0] =	ssyncset.done @!p0 $0x0  }
0x72: {  	[sflag:s0] =	ssyncadd.s32 @!p0 s1  }
0x73: {  	[bflag:$0x3] =	sbarrier.arrive $0xFFFF  }
0x74: {  	_ =	shalt  }

</sc_bundles>
